<compile_context>
chip_gen: v7x
topology: tpu7x:2x2x1
jax: 0.10.2.dev20260603
libtpu: 0.0.44.dev20260713+nightly
codegen_flags: <defaults>
</compile_context>

<pallas_src>
import math
import functools

import jax
import jax.numpy as jnp
from jax import lax
from jax.experimental import pallas as pl
from jax.experimental.pallas import tpu as pltpu, tpu_sc as plsc

N_EDGES = 160000
E_EDGE = 256
E_QIN = 32
E_SBF = 32
E_RBF = 16
E_CBF = 16
E_QOUT = 32
NSPH = 8
KMAX = 8

BLK_E = 1000
BLK_T = 2000
BLK_D = 800
BLK_F = 1000


def _stage1_body(m_ref, br_ref, wdb_ref, wrbf_ref, wdown_ref, out_ref):
    t = jnp.dot(m_ref[...], wdb_ref[...], preferred_element_type=jnp.float32)
    rb = jnp.dot(br_ref[...], wrbf_ref[...], preferred_element_type=jnp.float32)
    out_ref[...] = jnp.dot(t * rb, wdown_ref[...], preferred_element_type=jnp.float32)


def _stage1(m, bases_rad, W_db, W_rbf, W_down):
    n = m.shape[0]
    return pl.pallas_call(
        _stage1_body,
        grid=(n // BLK_E,),
        in_specs=[
            pl.BlockSpec((BLK_E, E_EDGE), lambda i: (i, 0)),
            pl.BlockSpec((BLK_E, E_RBF), lambda i: (i, 0)),
            pl.BlockSpec((E_EDGE, E_EDGE), lambda i: (0, 0)),
            pl.BlockSpec((E_RBF, E_EDGE), lambda i: (0, 0)),
            pl.BlockSpec((E_EDGE, E_QIN), lambda i: (0, 0)),
        ],
        out_specs=pl.BlockSpec((BLK_E, E_QIN), lambda i: (i, 0)),
        out_shape=jax.ShapeDtypeStruct((n, E_QIN), jnp.float32),
    )(m, bases_rad, W_db, W_rbf, W_down)


def _cb_body(bc_ref, wcbf_ref, out_ref):
    out_ref[...] = jnp.dot(bc_ref[...], wcbf_ref[...], preferred_element_type=jnp.float32)


def _cb(bases_cir, W_cbf):
    n = bases_cir.shape[0]
    return pl.pallas_call(
        _cb_body,
        grid=(n // BLK_T,),
        in_specs=[
            pl.BlockSpec((BLK_T, E_CBF), lambda i: (i, 0)),
            pl.BlockSpec((E_CBF, E_QIN), lambda i: (0, 0)),
        ],
        out_specs=pl.BlockSpec((BLK_T, E_QIN), lambda i: (i, 0)),
        out_shape=jax.ShapeDtypeStruct((n, E_QIN), jnp.float32),
    )(bases_cir, W_cbf)


def _stageD_body(mp_ref, ss_ref, w1r_ref, wb_ref, r8_ref, t8_ref, r32_ref,
                 t32_ref, out_ref):
    B = mp_ref.shape[0]
    f32 = jnp.float32
    smf = jnp.zeros((B, NSPH * E_QIN), f32)
    for k in range(KMAX):
        ssk = ss_ref[:, k * NSPH:(k + 1) * NSPH]
        mpk = mp_ref[:, k * E_QIN:(k + 1) * E_QIN]
        smf = smf + (jnp.dot(ssk, r8_ref[...], preferred_element_type=f32) *
                     jnp.dot(mpk, t8_ref[...], preferred_element_type=f32))
    r = jnp.zeros((B, E_SBF * E_QIN), f32)
    for n in range(NSPH):
        w1n = w1r_ref[:, n * E_SBF:(n + 1) * E_SBF]
        smn = smf[:, n * E_QIN:(n + 1) * E_QIN]
        r = r + (jnp.dot(w1n, r32_ref[...], preferred_element_type=f32) *
                 jnp.dot(smn, t32_ref[...], preferred_element_type=f32))
    out_ref[...] = jnp.dot(r, wb_ref[...], preferred_element_type=f32)


def _expander_mats():
    i8 = jnp.arange(NSPH)
    i32 = jnp.arange(E_QIN)
    j256 = jnp.arange(NSPH * E_QIN)
    j1024 = jnp.arange(E_SBF * E_QIN)
    r8 = (j256[None, :] // E_QIN == i8[:, None]).astype(jnp.float32)
    t8 = (j256[None, :] % E_QIN == i32[:, None]).astype(jnp.float32)
    r32 = (j1024[None, :] // E_QIN == i32[:, None]).astype(jnp.float32)
    t32 = (j1024[None, :] % E_QIN == i32[:, None]).astype(jnp.float32)
    return r8, t8, r32, t32


def _stageD(mp_flat, ss_flat, w1r_flat, W_bil):
    n = mp_flat.shape[0]
    r8, t8, r32, t32 = _expander_mats()
    return pl.pallas_call(
        _stageD_body,
        grid=(n // BLK_D,),
        in_specs=[
            pl.BlockSpec((BLK_D, KMAX * E_QIN), lambda i: (i, 0)),
            pl.BlockSpec((BLK_D, KMAX * NSPH), lambda i: (i, 0)),
            pl.BlockSpec((BLK_D, NSPH * E_SBF), lambda i: (i, 0)),
            pl.BlockSpec((E_SBF * E_QIN, E_QOUT), lambda i: (0, 0)),
            pl.BlockSpec((NSPH, NSPH * E_QIN), lambda i: (0, 0)),
            pl.BlockSpec((E_QIN, NSPH * E_QIN), lambda i: (0, 0)),
            pl.BlockSpec((E_QIN, E_SBF * E_QIN), lambda i: (0, 0)),
            pl.BlockSpec((E_QIN, E_SBF * E_QIN), lambda i: (0, 0)),
        ],
        out_specs=pl.BlockSpec((BLK_D, E_QOUT), lambda i: (i, 0)),
        out_shape=jax.ShapeDtypeStruct((n, E_QOUT), jnp.float32),
    )(mp_flat, ss_flat, w1r_flat, W_bil, r8, t8, r32, t32)


def _final_body(x_ref, xg_ref, wca_ref, wac_ref, out_ref):
    inv_sqrt_2 = 1.0 / math.sqrt(2.0)
    a = jnp.dot(x_ref[...], wca_ref[...], preferred_element_type=jnp.float32)
    b = jnp.dot(xg_ref[...], wac_ref[...], preferred_element_type=jnp.float32)
    out_ref[...] = (a + b) * inv_sqrt_2


def _final(x, xg, W_up_ca, W_up_ac):
    n = x.shape[0]
    return pl.pallas_call(
        _final_body,
        grid=(n // BLK_F,),
        in_specs=[
            pl.BlockSpec((BLK_F, E_QOUT), lambda i: (i, 0)),
            pl.BlockSpec((BLK_F, E_QOUT), lambda i: (i, 0)),
            pl.BlockSpec((E_QOUT, E_EDGE), lambda i: (0, 0)),
            pl.BlockSpec((E_QOUT, E_EDGE), lambda i: (0, 0)),
        ],
        out_specs=pl.BlockSpec((BLK_F, E_EDGE), lambda i: (i, 0)),
        out_shape=jax.ShapeDtypeStruct((n, E_EDGE), jnp.float32),
    )(x, xg, W_up_ca, W_up_ac)


N_QUAD = 640000
N_TRIP = 640000
NSLOTS = N_EDGES * KMAX
NW = 32
OWN = NSLOTS // NW
CHUNK = 16000
WIN = 400
SENT = 4096
ZPAD = 512

_SC_PARAMS = pltpu.CompilerParams(use_tc_tiling_on_sc=False,
                                  needs_layout_passes=False)


def _sc_mesh():
    return plsc.VectorSubcoreMesh(core_axis_name="c", subcore_axis_name="s")


def _sc_build_mpad(idx_out, idx_out_agg, ttq_ext, tii_ext, x1z, cbz):

    @functools.partial(
        pl.kernel, mesh=_sc_mesh(),
        out_type=jax.ShapeDtypeStruct((NSLOTS, E_QIN), jnp.float32),
        compiler_params=_SC_PARAMS,
        scratch_types=[
            pltpu.VMEM((OWN,), jnp.int32),
            pltpu.VMEM((CHUNK,), jnp.int32),
            pltpu.VMEM((CHUNK,), jnp.int32),
            pltpu.VMEM((WIN,), jnp.int32),
            pltpu.VMEM((WIN,), jnp.int32),
            pltpu.VMEM((WIN,), jnp.int32),
            pltpu.VMEM((WIN, E_QIN), jnp.float32),
            pltpu.VMEM((WIN, E_QIN), jnp.float32),
            pltpu.VMEM((WIN, E_QIN), jnp.float32),
            pltpu.SemaphoreType.DMA,
        ],
    )
    def k(io_hbm, ia_hbm, ttq_hbm, tii_hbm, x1_hbm, cb_hbm, out_hbm,
          winner_v, io_v, ia_v, widx_v, t_v, e2_v, x1_v, cb_v, o_v, sem):
        wid = lax.axis_index("s") * 2 + lax.axis_index("c")
        lo = wid * OWN
        iota16 = lax.iota(jnp.int32, 16)
        zero16 = iota16 - iota16

        def zi(i, c):
            winner_v[pl.ds(i * 16, 16)] = zero16
            return c
        lax.fori_loop(0, OWN // 16, zi, 0)

        def chunk_body(ci, c):
            pltpu.sync_copy(io_hbm.at[pl.ds(ci * CHUNK, CHUNK)], io_v)
            pltpu.sync_copy(ia_hbm.at[pl.ds(ci * CHUNK, CHUNK)], ia_v)
            qbase = ci * CHUNK + 1

            def vb(i, c2):
                for u in range(4):
                    off = i * 64 + u * 16
                    io = io_v[pl.ds(off, 16)]
                    ia = ia_v[pl.ds(off, 16)]
                    local = io * KMAX + ia - lo
                    mask = (local >= 0) & (local < OWN)
                    localc = jnp.where(mask, local, 0)
                    q1 = (qbase + off) + iota16
                    plsc.store_scatter(winner_v, [localc], q1, mask=mask)
                return c2
            lax.fori_loop(0, CHUNK // 64, vb, 0)
            return c
        lax.fori_loop(0, N_QUAD // CHUNK, chunk_body, 0)

        def win_body(wi, c):
            woff = wi * WIN

            def tb(i, c2):
                wv = winner_v[pl.ds(woff + i * 16, 16)]
                sent = N_TRIP + ((woff + i * 16 + iota16) & (SENT - 1))
                widx_v[pl.ds(i * 16, 16)] = jnp.where(wv == 0, sent, wv - 1)
                return c2
            lax.fori_loop(0, WIN // 16, tb, 0)
            pltpu.async_copy(ttq_hbm.at[widx_v], t_v, sem).wait()
            pltpu.async_copy(tii_hbm.at[t_v], e2_v, sem).wait()
            pltpu.async_copy(x1_hbm.at[e2_v], x1_v, sem).wait()
            pltpu.async_copy(cb_hbm.at[t_v], cb_v, sem).wait()

            def mb(i, c2):
                for u in range(4):
                    row = i * 4 + u
                    for h in (0, 16):
                        o_v[row, pl.ds(h, 16)] = (x1_v[row, pl.ds(h, 16)] *
                                                  cb_v[row, pl.ds(h, 16)])
                return c2
            lax.fori_loop(0, WIN // 4, mb, 0)
            pltpu.sync_copy(o_v, out_hbm.at[pl.ds(lo + woff, WIN)])
            return c
        lax.fori_loop(0, OWN // WIN, win_body, 0)

    return k(idx_out, idx_out_agg, ttq_ext, tii_ext, x1z, cbz)


GW = N_EDGES // NW
GWIN = 1000


def _sc_gather_rows(x, idx):

    @functools.partial(
        pl.kernel, mesh=_sc_mesh(),
        out_type=jax.ShapeDtypeStruct((N_EDGES, E_QOUT), jnp.float32),
        compiler_params=_SC_PARAMS,
        scratch_types=[
            pltpu.VMEM((GWIN,), jnp.int32),
            pltpu.VMEM((GWIN, E_QOUT), jnp.float32),
            pltpu.SemaphoreType.DMA,
        ],
    )
    def k(x_hbm, idx_hbm, out_hbm, idx_v, rows_v, sem):
        wid = lax.axis_index("s") * 2 + lax.axis_index("c")
        base = wid * GW

        def wb(i, c):
            off = base + i * GWIN
            pltpu.sync_copy(idx_hbm.at[pl.ds(off, GWIN)], idx_v)
            pltpu.async_copy(x_hbm.at[idx_v], rows_v, sem).wait()
            pltpu.sync_copy(rows_v, out_hbm.at[pl.ds(off, GWIN)])
            return c
        lax.fori_loop(0, GW // GWIN, wb, 0)

    return k(x, idx)


def kernel(m, bases_rad, bases_cir, sph_rbf_W1, sph_sph, idx_triplet_in_in,
           idx_trip_in_to_quad, idx_out, idx_out_agg, id_swap,
           W_db, W_rbf, W_cbf, W_down, W_bil, W_up_ca, W_up_ac):
    x1 = _stage1(m, bases_rad, W_db, W_rbf, W_down)
    cb = _cb(bases_cir, W_cbf)
    nE = sph_rbf_W1.shape[0]
    x1z = jnp.concatenate([x1, jnp.zeros((ZPAD, E_QIN), jnp.float32)], axis=0)
    cbz = jnp.concatenate([cb, jnp.zeros((SENT, E_QIN), jnp.float32)], axis=0)
    sj = jnp.arange(SENT, dtype=jnp.int32)
    ttq_ext = jnp.concatenate(
        [idx_trip_in_to_quad.astype(jnp.int32), N_TRIP + sj])
    tii_ext = jnp.concatenate(
        [idx_triplet_in_in.astype(jnp.int32),
         N_EDGES + (sj & (ZPAD - 1))])
    mp = _sc_build_mpad(idx_out.astype(jnp.int32), idx_out_agg.astype(jnp.int32),
                        ttq_ext, tii_ext, x1z, cbz)
    mp_flat = mp.reshape(nE, KMAX * E_QIN)
    ss_flat = sph_sph.reshape(nE, KMAX * NSPH)
    w1r_flat = jnp.transpose(sph_rbf_W1, (0, 2, 1)).reshape(nE, NSPH * E_SBF)
    x = _stageD(mp_flat, ss_flat, w1r_flat, W_bil)
    xg = _sc_gather_rows(x, id_swap.astype(jnp.int32))
    return _final(x, xg, W_up_ca, W_up_ac)

# --- scband reference (transcript-rebuilt; emitter-appended) ---
"""Pipeline reference for scband-quadruplet-interaction-69999376990650 (READ-ONLY COPY).

The authoritative reference and input builder live on the scoring server;
editing this copy changes nothing except your own understanding.
"""

import math
import jax, jax.numpy as jnp
import numpy as np

N_EDGES = 160000
N_TRIP = 640000
N_QUAD = 640000
KMAX = 8
NSPH = 8
E_EDGE = 256
E_QIN = 32
E_QOUT = 32
E_RBF = 16
E_CBF = 16
E_SBF = 32


def setup_inputs(seed: int = 0) -> dict:
    key = jax.random.key(seed)
    ks = jax.random.split(key, 17)
    inp = {}
    inp['m'] = jax.random.normal(ks[0], (N_EDGES, E_EDGE), dtype=jnp.float32)
    inp['bases_rad'] = jax.random.uniform(ks[1], (N_EDGES, E_RBF), dtype=jnp.float32)
    inp['bases_cir'] = jax.random.uniform(ks[2], (N_TRIP, E_CBF), dtype=jnp.float32)
    inp['sph_rbf_W1'] = jax.random.normal(ks[3], (N_EDGES, E_SBF, NSPH), dtype=jnp.float32)
    inp['sph_sph'] = jax.random.normal(ks[4], (N_EDGES, KMAX, NSPH), dtype=jnp.float32)
    inp['idx_triplet_in_in'] = jax.random.randint(ks[5], (N_TRIP,), 0, N_EDGES)
    inp['idx_trip_in_to_quad'] = jax.random.randint(ks[6], (N_QUAD,), 0, N_TRIP)
    inp['idx_out'] = jax.random.randint(ks[7], (N_QUAD,), 0, N_EDGES)
    inp['idx_out_agg'] = jax.random.randint(ks[8], (N_QUAD,), 0, KMAX)
    inp['id_swap'] = jax.random.randint(ks[9], (N_EDGES,), 0, N_EDGES)

    def w(k, fan_in, fan_out):
        return jax.random.normal(k, (fan_in, fan_out), dtype=jnp.float32) * (1.0 / np.sqrt(fan_in))

    inp['W_db'] = w(ks[10], E_EDGE, E_EDGE)
    inp['W_rbf'] = w(ks[11], E_RBF, E_EDGE)
    inp['W_cbf'] = w(ks[12], E_CBF, E_QIN)
    inp['W_down'] = w(ks[13], E_EDGE, E_QIN)
    inp['W_bil'] = w(ks[14], E_QIN * E_SBF, E_QOUT)
    inp['W_up_ca'] = w(ks[15], E_QOUT, E_EDGE)
    inp['W_up_ac'] = w(ks[16], E_QOUT, E_EDGE)
    return inp


def reference(m, bases_rad, bases_cir, sph_rbf_W1, sph_sph,
              idx_triplet_in_in, idx_trip_in_to_quad, idx_out, idx_out_agg, id_swap,
              W_db, W_rbf, W_cbf, W_down, W_bil, W_up_ca, W_up_ac):
    inv_sqrt_2 = 1.0 / math.sqrt(2.0)
    # dense_db (activation=None, no bias)
    x_db = m @ W_db
    # multiply by projected radial basis; ScaleFactor == identity (scale=1.0)
    x_db = x_db * (bases_rad @ W_rbf)
    # down projection to quad-in dim
    x_db = x_db @ W_down
    # gather edges -> triplets
    x_db = jnp.take(x_db, idx_triplet_in_in, axis=0)
    # multiply by projected circular basis; ScaleFactor == identity
    x_db = x_db * (bases_cir @ W_cbf)
    # gather triplets -> quadruplets
    x_db = jnp.take(x_db, idx_trip_in_to_quad, axis=0)
    # EfficientInteractionBilinear: scatter quads into (nEdges, Kmax, emb) dense pad
    nE = sph_rbf_W1.shape[0]
    Kmax = sph_sph.shape[1]
    m_pad = jnp.zeros((nE, Kmax, x_db.shape[-1]), x_db.dtype).at[idx_out, idx_out_agg].set(x_db)
    # (nEdges, NSPH, emb)
    sph_m = jnp.matmul(jnp.swapaxes(sph_sph, -1, -2), m_pad)
    # (nEdges, E_SBF, emb)
    r = jnp.matmul(sph_rbf_W1, sph_m)
    x = r.reshape(nE, -1) @ W_bil  # bilinear Dense, (nEdges, E_QOUT)
    # symmetric message passing
    x_ca = x @ W_up_ca
    x_ac = jnp.take(x @ W_up_ac, id_swap, axis=0)
    return (x_ca + x_ac) * inv_sqrt_2

if __name__ == "__main__":
    import jax
    _d = setup_inputs()
    print(jax.jit(kernel)(*tuple(_d.values())))

</pallas_src>

<mosaic_0001>
#map = affine_map<(d0, d1) -> (0, 0)>
#map1 = affine_map<(d0, d1) -> (0)>
module attributes {stable_mosaic.version = 14 : i64} {
  func.func @k(%arg0: i32, %arg1: i32, %arg2: memref<160000x32xf32, #tpu.memory_space<hbm>>, %arg3: memref<160000xi32, #tpu.memory_space<hbm>>, %arg4: memref<160000x32xf32, #tpu.memory_space<hbm>>, %arg5: memref<1000xi32, #tpu.memory_space<vmem>>, %arg6: memref<1000x32xf32, #tpu.memory_space<vmem>>, %arg7: memref<!tpu.dma_semaphore, #tpu.memory_space<semaphore_mem>>) attributes {dimension_semantics = [#tpu.dimension_semantics<core_parallel>, #tpu.dimension_semantics<subcore_parallel>], iteration_bounds = array<i64: 2, 16>, scalar_prefetch = 0 : i64, scratch_operands = 3 : i64, tpu.core_type = #tpu.core_type<sc_vector_subcore>, window_params = [{transform_indices = #map}, {transform_indices = #map1}, {transform_indices = #map}]} {
    %mul3A = arith.constant 2 : i32
    %mul3A_0 = arith.muli %arg1, %mul3A : i32
    %add3A = arith.addi %mul3A_0, %arg0 : i32
    %mul3A_1 = arith.constant 5000 : i32
    %mul3A_2 = arith.muli %add3A, %mul3A_1 : i32
    %scan3A = arith.constant 0 : i32
    %scan3A_3 = arith.constant 0 : i32
    %scan3A_4 = arith.constant 5 : i32
    %scan3A_5 = arith.addi %scan3A_3, %scan3A_4 : i32
    %scan3A_6 = arith.constant 1 : i32
    scf.for %scan3A_8 = %scan3A_3 to %scan3A_5 step %scan3A_6  : i32 {
      %mul3A_9 = arith.constant 1000 : i32
      %mul3A_10 = arith.muli %scan3A_8, %mul3A_9 : i32
      %add3A_11 = arith.addi %mul3A_2, %mul3A_10 : i32
      "tpu.region"() ({
        %run_scoped3A = tpu.sem_alloc : memref<!tpu.dma_semaphore, #tpu.memory_space<semaphore_mem>>
        %dma_start3A_16 = tpu.memref_slice %arg3[%add3A_11] : memref<160000xi32, #tpu.memory_space<hbm>> -> memref<1000xi32, #tpu.memory_space<hbm>>
        %dma_start3A_17 = tpu.memref_slice %arg3[%add3A_11] : memref<160000xi32, #tpu.memory_space<hbm>> -> memref<1000xi32, #tpu.memory_space<hbm>>
        tpu.enqueue_dma source(%dma_start3A_17 : memref<1000xi32, #tpu.memory_space<hbm>>) target(%arg5 : memref<1000xi32, #tpu.memory_space<vmem>>) target_semaphore(%run_scoped3A : memref<!tpu.dma_semaphore, #tpu.memory_space<semaphore_mem>>)
        %dma_wait3A_18 = tpu.memref_slice %arg3[%add3A_11] : memref<160000xi32, #tpu.memory_space<hbm>> -> memref<1000xi32, #tpu.memory_space<hbm>>
        %dma_wait3A_19 = tpu.memref_slice %arg3[%add3A_11] : memref<160000xi32, #tpu.memory_space<hbm>> -> memref<1000xi32, #tpu.memory_space<hbm>>
        tpu.wait_dma2 semaphore(%run_scoped3A : memref<!tpu.dma_semaphore, #tpu.memory_space<semaphore_mem>>) src(%dma_wait3A_19 : memref<1000xi32, #tpu.memory_space<hbm>>) dst(%arg5 : memref<1000xi32, #tpu.memory_space<vmem>>)
        tpu.yield
      }) : () -> ()
      %dma_start3A = arith.constant 0 : i32
      %dma_start3A_12 = arith.constant 0 : i32
      %dma_start3A_13 = tpu.memref_slice %arg2[%dma_start3A, %dma_start3A_12] : memref<160000x32xf32, #tpu.memory_space<hbm>> -> memref<160000x32xf32, #tpu.memory_space<hbm>>
      tpu.enqueue_indirect_dma source(%dma_start3A_13 : memref<160000x32xf32, #tpu.memory_space<hbm>>) target(%arg6 : memref<1000x32xf32, #tpu.memory_space<vmem>>) offsets(%arg5 : memref<1000xi32, #tpu.memory_space<vmem>>) semaphore(%arg7 : memref<!tpu.dma_semaphore, #tpu.memory_space<semaphore_mem>>)
      %dma_wait3A = arith.constant 0 : i32
      %dma_wait3A_14 = arith.constant 0 : i32
      %dma_wait3A_15 = tpu.memref_slice %arg2[%dma_wait3A, %dma_wait3A_14] : memref<160000x32xf32, #tpu.memory_space<hbm>> -> memref<160000x32xf32, #tpu.memory_space<hbm>>
      tpu.wait_indirect_dma semaphore(%arg7 : memref<!tpu.dma_semaphore, #tpu.memory_space<semaphore_mem>>) src(%dma_wait3A_15 : memref<160000x32xf32, #tpu.memory_space<hbm>>) dst(%arg6 : memref<1000x32xf32, #tpu.memory_space<vmem>>)
      "tpu.region"() ({
        %run_scoped3A = tpu.sem_alloc : memref<!tpu.dma_semaphore, #tpu.memory_space<semaphore_mem>>
        %dma_start3A_16 = arith.constant 0 : i32
        %dma_start3A_17 = tpu.memref_slice %arg4[%add3A_11, %dma_start3A_16] : memref<160000x32xf32, #tpu.memory_space<hbm>> -> memref<1000x32xf32, #tpu.memory_space<hbm>>
        %dma_start3A_18 = arith.constant 0 : i32
        %dma_start3A_19 = tpu.memref_slice %arg4[%add3A_11, %dma_start3A_18] : memref<160000x32xf32, #tpu.memory_space<hbm>> -> memref<1000x32xf32, #tpu.memory_space<hbm>>
        tpu.enqueue_dma source(%arg6 : memref<1000x32xf32, #tpu.memory_space<vmem>>) target(%dma_start3A_19 : memref<1000x32xf32, #tpu.memory_space<hbm>>) target_semaphore(%run_scoped3A : memref<!tpu.dma_semaphore, #tpu.memory_space<semaphore_mem>>)
        %dma_wait3A_20 = arith.constant 0 : i32
        %dma_wait3A_21 = tpu.memref_slice %arg4[%add3A_11, %dma_wait3A_20] : memref<160000x32xf32, #tpu.memory_space<hbm>> -> memref<1000x32xf32, #tpu.memory_space<hbm>>
        %dma_wait3A_22 = arith.constant 0 : i32
        %dma_wait3A_23 = tpu.memref_slice %arg4[%add3A_11, %dma_wait3A_22] : memref<160000x32xf32, #tpu.memory_space<hbm>> -> memref<1000x32xf32, #tpu.memory_space<hbm>>
        tpu.wait_dma2 semaphore(%run_scoped3A : memref<!tpu.dma_semaphore, #tpu.memory_space<semaphore_mem>>) src(%arg6 : memref<1000x32xf32, #tpu.memory_space<vmem>>) dst(%dma_wait3A_23 : memref<1000x32xf32, #tpu.memory_space<hbm>>)
        tpu.yield
      }) : () -> ()
    }
    %scan3A_7 = arith.constant 5 : i32
    return
  }
}

#map = affine_map<(d0, d1) -> (0)>
#map1 = affine_map<(d0, d1) -> (0, 0)>
module attributes {stable_mosaic.version = 14 : i64} {
  func.func @k(%arg0: i32, %arg1: i32, %arg2: memref<640000xi32, #tpu.memory_space<hbm>>, %arg3: memref<640000xi32, #tpu.memory_space<hbm>>, %arg4: memref<644096xi32, #tpu.memory_space<hbm>>, %arg5: memref<644096xi32, #tpu.memory_space<hbm>>, %arg6: memref<160512x32xf32, #tpu.memory_space<hbm>>, %arg7: memref<644096x32xf32, #tpu.memory_space<hbm>>, %arg8: memref<1280000x32xf32, #tpu.memory_space<hbm>>, %arg9: memref<40000xi32, #tpu.memory_space<vmem>>, %arg10: memref<16000xi32, #tpu.memory_space<vmem>>, %arg11: memref<16000xi32, #tpu.memory_space<vmem>>, %arg12: memref<400xi32, #tpu.memory_space<vmem>>, %arg13: memref<400xi32, #tpu.memory_space<vmem>>, %arg14: memref<400xi32, #tpu.memory_space<vmem>>, %arg15: memref<400x32xf32, #tpu.memory_space<vmem>>, %arg16: memref<400x32xf32, #tpu.memory_space<vmem>>, %arg17: memref<400x32xf32, #tpu.memory_space<vmem>>, %arg18: memref<!tpu.dma_semaphore, #tpu.memory_space<semaphore_mem>>) attributes {dimension_semantics = [#tpu.dimension_semantics<core_parallel>, #tpu.dimension_semantics<subcore_parallel>], iteration_bounds = array<i64: 2, 16>, scalar_prefetch = 0 : i64, scratch_operands = 10 : i64, tpu.core_type = #tpu.core_type<sc_vector_subcore>, window_params = [{transform_indices = #map}, {transform_indices = #map}, {transform_indices = #map}, {transform_indices = #map}, {transform_indices = #map1}, {transform_indices = #map1}, {transform_indices = #map1}]} {
    %mul3A = arith.constant 2 : i32
    %mul3A_0 = arith.muli %arg1, %mul3A : i32
    %add3A = arith.addi %mul3A_0, %arg0 : i32
    %mul3A_1 = arith.constant 40000 : i32
    %mul3A_2 = arith.muli %add3A, %mul3A_1 : i32
    %iota3A = tpu.iota {dimensions = array<i32: 0>} : vector<16xi32>
    %sub3A = arith.subi %iota3A, %iota3A : vector<16xi32>
    %scan3A = arith.constant 0 : i32
    %scan3A_3 = arith.constant 0 : i32
    %scan3A_4 = arith.constant 2500 : i32
    %scan3A_5 = arith.addi %scan3A_3, %scan3A_4 : i32
    %scan3A_6 = arith.constant 1 : i32
    scf.for %scan3A_20 = %scan3A_3 to %scan3A_5 step %scan3A_6  : i32 {
      %mul3A_21 = arith.constant 16 : i32
      %mul3A_22 = arith.muli %scan3A_20, %mul3A_21 : i32
      %swap3A = arith.index_cast %mul3A_22 : i32 to index
      %swap3A_23 = tpu.vector_load %arg9[%swap3A] {strides = array<i32>} : memref<40000xi32, #tpu.memory_space<vmem>>, vector<16xi32>,
      tpu.vector_store %arg9[%swap3A], %sub3A {strides = array<i32>} : memref<40000xi32, #tpu.memory_space<vmem>>, vector<16xi32>,
    }
    %scan3A_7 = arith.constant 2500 : i32
    %scan3A_8 = arith.constant 0 : i32
    %scan3A_9 = arith.constant 0 : i32
    %scan3A_10 = arith.constant 40 : i32
    %scan3A_11 = arith.addi %scan3A_9, %scan3A_10 : i32
    %scan3A_12 = arith.constant 1 : i32
    scf.for %scan3A_20 = %scan3A_9 to %scan3A_11 step %scan3A_12  : i32 {
      %mul3A_21 = arith.constant 16000 : i32
      %mul3A_22 = arith.muli %scan3A_20, %mul3A_21 : i32
      "tpu.region"() ({
        %run_scoped3A = tpu.sem_alloc : memref<!tpu.dma_semaphore, #tpu.memory_space<semaphore_mem>>
        %dma_start3A = tpu.memref_slice %arg2[%mul3A_22] : memref<640000xi32, #tpu.memory_space<hbm>> -> memref<16000xi32, #tpu.memory_space<hbm>>
        %dma_start3A_35 = tpu.memref_slice %arg2[%mul3A_22] : memref<640000xi32, #tpu.memory_space<hbm>> -> memref<16000xi32, #tpu.memory_space<hbm>>
        tpu.enqueue_dma source(%dma_start3A_35 : memref<16000xi32, #tpu.memory_space<hbm>>) target(%arg10 : memref<16000xi32, #tpu.memory_space<vmem>>) target_semaphore(%run_scoped3A : memref<!tpu.dma_semaphore, #tpu.memory_space<semaphore_mem>>)
        %dma_wait3A = tpu.memref_slice %arg2[%mul3A_22] : memref<640000xi32, #tpu.memory_space<hbm>> -> memref<16000xi32, #tpu.memory_space<hbm>>
        %dma_wait3A_36 = tpu.memref_slice %arg2[%mul3A_22] : memref<640000xi32, #tpu.memory_space<hbm>> -> memref<16000xi32, #tpu.memory_space<hbm>>
        tpu.wait_dma2 semaphore(%run_scoped3A : memref<!tpu.dma_semaphore, #tpu.memory_space<semaphore_mem>>) src(%dma_wait3A_36 : memref<16000xi32, #tpu.memory_space<hbm>>) dst(%arg10 : memref<16000xi32, #tpu.memory_space<vmem>>)
        tpu.yield
      }) : () -> ()
      %mul3A_23 = arith.constant 16000 : i32
      %mul3A_24 = arith.muli %scan3A_20, %mul3A_23 : i32
      "tpu.region"() ({
        %run_scoped3A = tpu.sem_alloc : memref<!tpu.dma_semaphore, #tpu.memory_space<semaphore_mem>>
        %dma_start3A = tpu.memref_slice %arg3[%mul3A_24] : memref<640000xi32, #tpu.memory_space<hbm>> -> memref<16000xi32, #tpu.memory_space<hbm>>
        %dma_start3A_35 = tpu.memref_slice %arg3[%mul3A_24] : memref<640000xi32, #tpu.memory_space<hbm>> -> memref<16000xi32, #tpu.memory_space<hbm>>
        tpu.enqueue_dma source(%dma_start3A_35 : memref<16000xi32, #tpu.memory_space<hbm>>) target(%arg11 : memref<16000xi32, #tpu.memory_space<vmem>>) target_semaphore(%run_scoped3A : memref<!tpu.dma_semaphore, #tpu.memory_space<semaphore_mem>>)
        %dma_wait3A = tpu.memref_slice %arg3[%mul3A_24] : memref<640000xi32, #tpu.memory_space<hbm>> -> memref<16000xi32, #tpu.memory_space<hbm>>
        %dma_wait3A_36 = tpu.memref_slice %arg3[%mul3A_24] : memref<640000xi32, #tpu.memory_space<hbm>> -> memref<16000xi32, #tpu.memory_space<hbm>>
        tpu.wait_dma2 semaphore(%run_scoped3A : memref<!tpu.dma_semaphore, #tpu.memory_space<semaphore_mem>>) src(%dma_wait3A_36 : memref<16000xi32, #tpu.memory_space<hbm>>) dst(%arg11 : memref<16000xi32, #tpu.memory_space<vmem>>)
        tpu.yield
      }) : () -> ()
      %mul3A_25 = arith.constant 16000 : i32
      %mul3A_26 = arith.muli %scan3A_20, %mul3A_25 : i32
      %add3A_27 = arith.constant 1 : i32
      %add3A_28 = arith.addi %mul3A_26, %add3A_27 : i32
      %scan3A_29 = arith.constant 0 : i32
      %scan3A_30 = arith.constant 0 : i32
      %scan3A_31 = arith.constant 250 : i32
      %scan3A_32 = arith.addi %scan3A_30, %scan3A_31 : i32
      %scan3A_33 = arith.constant 1 : i32
      scf.for %scan3A_35 = %scan3A_30 to %scan3A_32 step %scan3A_33  : i32 {
        %mul3A_36 = arith.constant 64 : i32
        %mul3A_37 = arith.muli %scan3A_35, %mul3A_36 : i32
        %add3A_38 = arith.constant 0 : i32
        %add3A_39 = arith.addi %mul3A_37, %add3A_38 : i32
        %get3A = arith.index_cast %add3A_39 : i32 to index
        %get3A_40 = tpu.vector_load %arg10[%get3A] {strides = array<i32>} : memref<16000xi32, #tpu.memory_space<vmem>>, vector<16xi32>,
        %get3A_41 = arith.index_cast %add3A_39 : i32 to index
        %get3A_42 = tpu.vector_load %arg11[%get3A_41] {strides = array<i32>} : memref<16000xi32, #tpu.memory_space<vmem>>, vector<16xi32>,
        %mul3A_43 = arith.constant 8 : i32
        %mul3A_44 = vector.broadcast %mul3A_43 : i32 to vector<16xi32>
        %mul3A_45 = arith.muli %get3A_40, %mul3A_44 : vector<16xi32>
        %add3A_46 = arith.addi %mul3A_45, %get3A_42 : vector<16xi32>
        %sub3A_47 = vector.broadcast %mul3A_2 : i32 to vector<16xi32>
        %sub3A_48 = arith.subi %add3A_46, %sub3A_47 : vector<16xi32>
        %ge3A = arith.constant 0 : i32
        %ge3A_49 = vector.broadcast %ge3A : i32 to vector<16xi32>
        %ge3A_50 = arith.cmpi sge, %sub3A_48, %ge3A_49 : vector<16xi32>
        %lt3A = arith.constant 40000 : i32
        %lt3A_51 = vector.broadcast %lt3A : i32 to vector<16xi32>
        %lt3A_52 = arith.cmpi slt, %sub3A_48, %lt3A_51 : vector<16xi32>
        %and3A = arith.andi %ge3A_50, %lt3A_52 : vector<16xi1>
        %jit3A = arith.constant 0 : i32
        %broadcast_in_dim3A = vector.broadcast %jit3A : i32 to vector<16xi32>
        %select_n3A = arith.select %and3A, %sub3A_48, %broadcast_in_dim3A : vector<16xi1>, vector<16xi32>
        %add3A_53 = arith.addi %add3A_28, %add3A_39 : i32
        %add3A_54 = vector.broadcast %add3A_53 : i32 to vector<16xi32>
        %add3A_55 = arith.addi %add3A_54, %iota3A : vector<16xi32>
        tpu.vector_store_idx %arg9[%select_n3A], %add3A_55 masked %and3A : memref<40000xi32, #tpu.memory_space<vmem>>[vector<16xi32>], vector<16xi32>, vector<16xi1>
        %mul3A_56 = arith.constant 64 : i32
        %mul3A_57 = arith.muli %scan3A_35, %mul3A_56 : i32
        %add3A_58 = arith.constant 16 : i32
        %add3A_59 = arith.addi %mul3A_57, %add3A_58 : i32
        %get3A_60 = arith.index_cast %add3A_59 : i32 to index
        %get3A_61 = tpu.vector_load %arg10[%get3A_60] {strides = array<i32>} : memref<16000xi32, #tpu.memory_space<vmem>>, vector<16xi32>,
        %get3A_62 = arith.index_cast %add3A_59 : i32 to index
        %get3A_63 = tpu.vector_load %arg11[%get3A_62] {strides = array<i32>} : memref<16000xi32, #tpu.memory_space<vmem>>, vector<16xi32>,
        %mul3A_64 = arith.constant 8 : i32
        %mul3A_65 = vector.broadcast %mul3A_64 : i32 to vector<16xi32>
        %mul3A_66 = arith.muli %get3A_61, %mul3A_65 : vector<16xi32>
        %add3A_67 = arith.addi %mul3A_66, %get3A_63 : vector<16xi32>
        %sub3A_68 = vector.broadcast %mul3A_2 : i32 to vector<16xi32>
        %sub3A_69 = arith.subi %add3A_67, %sub3A_68 : vector<16xi32>
        %ge3A_70 = arith.constant 0 : i32
        %ge3A_71 = vector.broadcast %ge3A_70 : i32 to vector<16xi32>
        %ge3A_72 = arith.cmpi sge, %sub3A_69, %ge3A_71 : vector<16xi32>
        %lt3A_73 = arith.constant 40000 : i32
        %lt3A_74 = vector.broadcast %lt3A_73 : i32 to vector<16xi32>
        %lt3A_75 = arith.cmpi slt, %sub3A_69, %lt3A_74 : vector<16xi32>
        %and3A_76 = arith.andi %ge3A_72, %lt3A_75 : vector<16xi1>
        %jit3A_77 = arith.constant 0 : i32
        %broadcast_in_dim3A_78 = vector.broadcast %jit3A_77 : i32 to vector<16xi32>
        %select_n3A_79 = arith.select %and3A_76, %sub3A_69, %broadcast_in_dim3A_78 : vector<16xi1>, vector<16xi32>
        %add3A_80 = arith.addi %add3A_28, %add3A_59 : i32
        %add3A_81 = vector.broadcast %add3A_80 : i32 to vector<16xi32>
        %add3A_82 = arith.addi %add3A_81, %iota3A : vector<16xi32>
        tpu.vector_store_idx %arg9[%select_n3A_79], %add3A_82 masked %and3A_76 : memref<40000xi32, #tpu.memory_space<vmem>>[vector<16xi32>], vector<16xi32>, vector<16xi1>
        %mul3A_83 = arith.constant 64 : i32
        %mul3A_84 = arith.muli %scan3A_35, %mul3A_83 : i32
        %add3A_85 = arith.constant 32 : i32
        %add3A_86 = arith.addi %mul3A_84, %add3A_85 : i32
        %get3A_87 = arith.index_cast %add3A_86 : i32 to index
        %get3A_88 = tpu.vector_load %arg10[%get3A_87] {strides = array<i32>} : memref<16000xi32, #tpu.memory_space<vmem>>, vector<16xi32>,
        %get3A_89 = arith.index_cast %add3A_86 : i32 to index
        %get3A_90 = tpu.vector_load %arg11[%get3A_89] {strides = array<i32>} : memref<16000xi32, #tpu.memory_space<vmem>>, vector<16xi32>,
        %mul3A_91 = arith.constant 8 : i32
        %mul3A_92 = vector.broadcast %mul3A_91 : i32 to vector<16xi32>
        %mul3A_93 = arith.muli %get3A_88, %mul3A_92 : vector<16xi32>
        %add3A_94 = arith.addi %mul3A_93, %get3A_90 : vector<16xi32>
        %sub3A_95 = vector.broadcast %mul3A_2 : i32 to vector<16xi32>
        %sub3A_96 = arith.subi %add3A_94, %sub3A_95 : vector<16xi32>
        %ge3A_97 = arith.constant 0 : i32
        %ge3A_98 = vector.broadcast %ge3A_97 : i32 to vector<16xi32>
        %ge3A_99 = arith.cmpi sge, %sub3A_96, %ge3A_98 : vector<16xi32>
        %lt3A_100 = arith.constant 40000 : i32
        %lt3A_101 = vector.broadcast %lt3A_100 : i32 to vector<16xi32>
        %lt3A_102 = arith.cmpi slt, %sub3A_96, %lt3A_101 : vector<16xi32>
        %and3A_103 = arith.andi %ge3A_99, %lt3A_102 : vector<16xi1>
        %jit3A_104 = arith.constant 0 : i32
        %broadcast_in_dim3A_105 = vector.broadcast %jit3A_104 : i32 to vector<16xi32>
        %select_n3A_106 = arith.select %and3A_103, %sub3A_96, %broadcast_in_dim3A_105 : vector<16xi1>, vector<16xi32>
        %add3A_107 = arith.addi %add3A_28, %add3A_86 : i32
        %add3A_108 = vector.broadcast %add3A_107 : i32 to vector<16xi32>
        %add3A_109 = arith.addi %add3A_108, %iota3A : vector<16xi32>
        tpu.vector_store_idx %arg9[%select_n3A_106], %add3A_109 masked %and3A_103 : memref<40000xi32, #tpu.memory_space<vmem>>[vector<16xi32>], vector<16xi32>, vector<16xi1>
        %mul3A_110 = arith.constant 64 : i32
        %mul3A_111 = arith.muli %scan3A_35, %mul3A_110 : i32
        %add3A_112 = arith.constant 48 : i32
        %add3A_113 = arith.addi %mul3A_111, %add3A_112 : i32
        %get3A_114 = arith.index_cast %add3A_113 : i32 to index
        %get3A_115 = tpu.vector_load %arg10[%get3A_114] {strides = array<i32>} : memref<16000xi32, #tpu.memory_space<vmem>>, vector<16xi32>,
        %get3A_116 = arith.index_cast %add3A_113 : i32 to index
        %get3A_117 = tpu.vector_load %arg11[%get3A_116] {strides = array<i32>} : memref<16000xi32, #tpu.memory_space<vmem>>, vector<16xi32>,
        %mul3A_118 = arith.constant 8 : i32
        %mul3A_119 = vector.broadcast %mul3A_118 : i32 to vector<16xi32>
        %mul3A_120 = arith.muli %get3A_115, %mul3A_119 : vector<16xi32>
        %add3A_121 = arith.addi %mul3A_120, %get3A_117 : vector<16xi32>
        %sub3A_122 = vector.broadcast %mul3A_2 : i32 to vector<16xi32>
        %sub3A_123 = arith.subi %add3A_121, %sub3A_122 : vector<16xi32>
        %ge3A_124 = arith.constant 0 : i32
        %ge3A_125 = vector.broadcast %ge3A_124 : i32 to vector<16xi32>
        %ge3A_126 = arith.cmpi sge, %sub3A_123, %ge3A_125 : vector<16xi32>
        %lt3A_127 = arith.constant 40000 : i32
        %lt3A_128 = vector.broadcast %lt3A_127 : i32 to vector<16xi32>
        %lt3A_129 = arith.cmpi slt, %sub3A_123, %lt3A_128 : vector<16xi32>
        %and3A_130 = arith.andi %ge3A_126, %lt3A_129 : vector<16xi1>
        %jit3A_131 = arith.constant 0 : i32
        %broadcast_in_dim3A_132 = vector.broadcast %jit3A_131 : i32 to vector<16xi32>
        %select_n3A_133 = arith.select %and3A_130, %sub3A_123, %broadcast_in_dim3A_132 : vector<16xi1>, vector<16xi32>
        %add3A_134 = arith.addi %add3A_28, %add3A_113 : i32
        %add3A_135 = vector.broadcast %add3A_134 : i32 to vector<16xi32>
        %add3A_136 = arith.addi %add3A_135, %iota3A : vector<16xi32>
        tpu.vector_store_idx %arg9[%select_n3A_133], %add3A_136 masked %and3A_130 : memref<40000xi32, #tpu.memory_space<vmem>>[vector<16xi32>], vector<16xi32>, vector<16xi1>
      }
      %scan3A_34 = arith.constant 250 : i32
    }
    %scan3A_13 = arith.constant 40 : i32
    %scan3A_14 = arith.constant 0 : i32
    %scan3A_15 = arith.constant 0 : i32
    %scan3A_16 = arith.constant 100 : i32
    %scan3A_17 = arith.addi %scan3A_15, %scan3A_16 : i32
    %scan3A_18 = arith.constant 1 : i32
    scf.for %scan3A_20 = %scan3A_15 to %scan3A_17 step %scan3A_18  : i32 {
      %mul3A_21 = arith.constant 400 : i32
      %mul3A_22 = arith.muli %scan3A_20, %mul3A_21 : i32
      %scan3A_23 = arith.constant 0 : i32
      %scan3A_24 = arith.constant 0 : i32
      %scan3A_25 = arith.constant 25 : i32
      %scan3A_26 = arith.addi %scan3A_24, %scan3A_25 : i32
      %scan3A_27 = arith.constant 1 : i32
      scf.for %scan3A_54 = %scan3A_24 to %scan3A_26 step %scan3A_27  : i32 {
        %mul3A_55 = arith.constant 16 : i32
        %mul3A_56 = arith.muli %scan3A_54, %mul3A_55 : i32
        %add3A_57 = arith.addi %mul3A_22, %mul3A_56 : i32
        %get3A = arith.index_cast %add3A_57 : i32 to index
        %get3A_58 = tpu.vector_load %arg9[%get3A] {strides = array<i32>} : memref<40000xi32, #tpu.memory_space<vmem>>, vector<16xi32>,
        %mul3A_59 = arith.constant 16 : i32
        %mul3A_60 = arith.muli %scan3A_54, %mul3A_59 : i32
        %add3A_61 = arith.addi %mul3A_22, %mul3A_60 : i32
        %add3A_62 = vector.broadcast %add3A_61 : i32 to vector<16xi32>
        %add3A_63 = arith.addi %add3A_62, %iota3A : vector<16xi32>
        %and3A = arith.constant 4095 : i32
        %and3A_64 = vector.broadcast %and3A : i32 to vector<16xi32>
        %and3A_65 = arith.andi %add3A_63, %and3A_64 : vector<16xi32>
        %add3A_66 = arith.constant 640000 : i32
        %add3A_67 = vector.broadcast %add3A_66 : i32 to vector<16xi32>
        %add3A_68 = arith.addi %add3A_67, %and3A_65 : vector<16xi32>
        %eq3A = arith.constant 0 : i32
        %eq3A_69 = vector.broadcast %eq3A : i32 to vector<16xi32>
        %eq3A_70 = arith.cmpi eq, %get3A_58, %eq3A_69 : vector<16xi32>
        %sub3A_71 = arith.constant 1 : i32
        %sub3A_72 = vector.broadcast %sub3A_71 : i32 to vector<16xi32>
        %sub3A_73 = arith.subi %get3A_58, %sub3A_72 : vector<16xi32>
        %select_n3A = arith.select %eq3A_70, %add3A_68, %sub3A_73 : vector<16xi1>, vector<16xi32>
        %mul3A_74 = arith.constant 16 : i32
        %mul3A_75 = arith.muli %scan3A_54, %mul3A_74 : i32
        %swap3A = arith.index_cast %mul3A_75 : i32 to index
        %swap3A_76 = tpu.vector_load %arg12[%swap3A] {strides = array<i32>} : memref<400xi32, #tpu.memory_space<vmem>>, vector<16xi32>,
        tpu.vector_store %arg12[%swap3A], %select_n3A {strides = array<i32>} : memref<400xi32, #tpu.memory_space<vmem>>, vector<16xi32>,
      }
      %scan3A_28 = arith.constant 25 : i32
      %dma_start3A = arith.constant 0 : i32
      %dma_start3A_29 = tpu.memref_slice %arg4[%dma_start3A] : memref<644096xi32, #tpu.memory_space<hbm>> -> memref<644096xi32, #tpu.memory_space<hbm>>
      tpu.enqueue_indirect_dma source(%dma_start3A_29 : memref<644096xi32, #tpu.memory_space<hbm>>) target(%arg13 : memref<400xi32, #tpu.memory_space<vmem>>) offsets(%arg12 : memref<400xi32, #tpu.memory_space<vmem>>) semaphore(%arg18 : memref<!tpu.dma_semaphore, #tpu.memory_space<semaphore_mem>>)
      %dma_wait3A = arith.constant 0 : i32
      %dma_wait3A_30 = tpu.memref_slice %arg4[%dma_wait3A] : memref<644096xi32, #tpu.memory_space<hbm>> -> memref<644096xi32, #tpu.memory_space<hbm>>
      tpu.wait_indirect_dma semaphore(%arg18 : memref<!tpu.dma_semaphore, #tpu.memory_space<semaphore_mem>>) src(%dma_wait3A_30 : memref<644096xi32, #tpu.memory_space<hbm>>) dst(%arg13 : memref<400xi32, #tpu.memory_space<vmem>>)
      %dma_start3A_31 = arith.constant 0 : i32
      %dma_start3A_32 = tpu.memref_slice %arg5[%dma_start3A_31] : memref<644096xi32, #tpu.memory_space<hbm>> -> memref<644096xi32, #tpu.memory_space<hbm>>
      tpu.enqueue_indirect_dma source(%dma_start3A_32 : memref<644096xi32, #tpu.memory_space<hbm>>) target(%arg14 : memref<400xi32, #tpu.memory_space<vmem>>) offsets(%arg13 : memref<400xi32, #tpu.memory_space<vmem>>) semaphore(%arg18 : memref<!tpu.dma_semaphore, #tpu.memory_space<semaphore_mem>>)
      %dma_wait3A_33 = arith.constant 0 : i32
      %dma_wait3A_34 = tpu.memref_slice %arg5[%dma_wait3A_33] : memref<644096xi32, #tpu.memory_space<hbm>> -> memref<644096xi32, #tpu.memory_space<hbm>>
      tpu.wait_indirect_dma semaphore(%arg18 : memref<!tpu.dma_semaphore, #tpu.memory_space<semaphore_mem>>) src(%dma_wait3A_34 : memref<644096xi32, #tpu.memory_space<hbm>>) dst(%arg14 : memref<400xi32, #tpu.memory_space<vmem>>)
      %dma_start3A_35 = arith.constant 0 : i32
      %dma_start3A_36 = arith.constant 0 : i32
      %dma_start3A_37 = tpu.memref_slice %arg6[%dma_start3A_35, %dma_start3A_36] : memref<160512x32xf32, #tpu.memory_space<hbm>> -> memref<160512x32xf32, #tpu.memory_space<hbm>>
      tpu.enqueue_indirect_dma source(%dma_start3A_37 : memref<160512x32xf32, #tpu.memory_space<hbm>>) target(%arg15 : memref<400x32xf32, #tpu.memory_space<vmem>>) offsets(%arg14 : memref<400xi32, #tpu.memory_space<vmem>>) semaphore(%arg18 : memref<!tpu.dma_semaphore, #tpu.memory_space<semaphore_mem>>)
      %dma_wait3A_38 = arith.constant 0 : i32
      %dma_wait3A_39 = arith.constant 0 : i32
      %dma_wait3A_40 = tpu.memref_slice %arg6[%dma_wait3A_38, %dma_wait3A_39] : memref<160512x32xf32, #tpu.memory_space<hbm>> -> memref<160512x32xf32, #tpu.memory_space<hbm>>
      tpu.wait_indirect_dma semaphore(%arg18 : memref<!tpu.dma_semaphore, #tpu.memory_space<semaphore_mem>>) src(%dma_wait3A_40 : memref<160512x32xf32, #tpu.memory_space<hbm>>) dst(%arg15 : memref<400x32xf32, #tpu.memory_space<vmem>>)
      %dma_start3A_41 = arith.constant 0 : i32
      %dma_start3A_42 = arith.constant 0 : i32
      %dma_start3A_43 = tpu.memref_slice %arg7[%dma_start3A_41, %dma_start3A_42] : memref<644096x32xf32, #tpu.memory_space<hbm>> -> memref<644096x32xf32, #tpu.memory_space<hbm>>
      tpu.enqueue_indirect_dma source(%dma_start3A_43 : memref<644096x32xf32, #tpu.memory_space<hbm>>) target(%arg16 : memref<400x32xf32, #tpu.memory_space<vmem>>) offsets(%arg13 : memref<400xi32, #tpu.memory_space<vmem>>) semaphore(%arg18 : memref<!tpu.dma_semaphore, #tpu.memory_space<semaphore_mem>>)
      %dma_wait3A_44 = arith.constant 0 : i32
      %dma_wait3A_45 = arith.constant 0 : i32
      %dma_wait3A_46 = tpu.memref_slice %arg7[%dma_wait3A_44, %dma_wait3A_45] : memref<644096x32xf32, #tpu.memory_space<hbm>> -> memref<644096x32xf32, #tpu.memory_space<hbm>>
      tpu.wait_indirect_dma semaphore(%arg18 : memref<!tpu.dma_semaphore, #tpu.memory_space<semaphore_mem>>) src(%dma_wait3A_46 : memref<644096x32xf32, #tpu.memory_space<hbm>>) dst(%arg16 : memref<400x32xf32, #tpu.memory_space<vmem>>)
      %scan3A_47 = arith.constant 0 : i32
      %scan3A_48 = arith.constant 0 : i32
      %scan3A_49 = arith.constant 100 : i32
      %scan3A_50 = arith.addi %scan3A_48, %scan3A_49 : i32
      %scan3A_51 = arith.constant 1 : i32
      scf.for %scan3A_54 = %scan3A_48 to %scan3A_50 step %scan3A_51  : i32 {
        %mul3A_55 = arith.constant 4 : i32
        %mul3A_56 = arith.muli %scan3A_54, %mul3A_55 : i32
        %add3A_57 = arith.constant 0 : i32
        %add3A_58 = arith.addi %mul3A_56, %add3A_57 : i32
        %get3A = arith.index_cast %add3A_58 : i32 to index
        %get3A_59 = arith.constant 0 : index
        %get3A_60 = tpu.vector_load %arg15[%get3A, %get3A_59] {strides = array<i32>} : memref<400x32xf32, #tpu.memory_space<vmem>>, vector<16xf32>,
        %get3A_61 = arith.index_cast %add3A_58 : i32 to index
        %get3A_62 = arith.constant 0 : index
        %get3A_63 = tpu.vector_load %arg16[%get3A_61, %get3A_62] {strides = array<i32>} : memref<400x32xf32, #tpu.memory_space<vmem>>, vector<16xf32>,
        %mul3A_64 = arith.mulf %get3A_60, %get3A_63 : vector<16xf32>
        %swap3A = arith.index_cast %add3A_58 : i32 to index
        %swap3A_65 = arith.constant 0 : index
        %swap3A_66 = tpu.vector_load %arg17[%swap3A, %swap3A_65] {strides = array<i32>} : memref<400x32xf32, #tpu.memory_space<vmem>>, vector<16xf32>,
        tpu.vector_store %arg17[%swap3A, %swap3A_65], %mul3A_64 {strides = array<i32>} : memref<400x32xf32, #tpu.memory_space<vmem>>, vector<16xf32>,
        %get3A_67 = arith.index_cast %add3A_58 : i32 to index
        %get3A_68 = arith.constant 16 : index
        %get3A_69 = tpu.vector_load %arg15[%get3A_67, %get3A_68] {strides = array<i32>} : memref<400x32xf32, #tpu.memory_space<vmem>>, vector<16xf32>,
        %get3A_70 = arith.index_cast %add3A_58 : i32 to index
        %get3A_71 = arith.constant 16 : index
        %get3A_72 = tpu.vector_load %arg16[%get3A_70, %get3A_71] {strides = array<i32>} : memref<400x32xf32, #tpu.memory_space<vmem>>, vector<16xf32>,
        %mul3A_73 = arith.mulf %get3A_69, %get3A_72 : vector<16xf32>
        %swap3A_74 = arith.index_cast %add3A_58 : i32 to index
        %swap3A_75 = arith.constant 16 : index
        %swap3A_76 = tpu.vector_load %arg17[%swap3A_74, %swap3A_75] {strides = array<i32>} : memref<400x32xf32, #tpu.memory_space<vmem>>, vector<16xf32>,
        tpu.vector_store %arg17[%swap3A_74, %swap3A_75], %mul3A_73 {strides = array<i32>} : memref<400x32xf32, #tpu.memory_space<vmem>>, vector<16xf32>,
        %mul3A_77 = arith.constant 4 : i32
        %mul3A_78 = arith.muli %scan3A_54, %mul3A_77 : i32
        %add3A_79 = arith.constant 1 : i32
        %add3A_80 = arith.addi %mul3A_78, %add3A_79 : i32
        %get3A_81 = arith.index_cast %add3A_80 : i32 to index
        %get3A_82 = arith.constant 0 : index
        %get3A_83 = tpu.vector_load %arg15[%get3A_81, %get3A_82] {strides = array<i32>} : memref<400x32xf32, #tpu.memory_space<vmem>>, vector<16xf32>,
        %get3A_84 = arith.index_cast %add3A_80 : i32 to index
        %get3A_85 = arith.constant 0 : index
        %get3A_86 = tpu.vector_load %arg16[%get3A_84, %get3A_85] {strides = array<i32>} : memref<400x32xf32, #tpu.memory_space<vmem>>, vector<16xf32>,
        %mul3A_87 = arith.mulf %get3A_83, %get3A_86 : vector<16xf32>
        %swap3A_88 = arith.index_cast %add3A_80 : i32 to index
        %swap3A_89 = arith.constant 0 : index
        %swap3A_90 = tpu.vector_load %arg17[%swap3A_88, %swap3A_89] {strides = array<i32>} : memref<400x32xf32, #tpu.memory_space<vmem>>, vector<16xf32>,
        tpu.vector_store %arg17[%swap3A_88, %swap3A_89], %mul3A_87 {strides = array<i32>} : memref<400x32xf32, #tpu.memory_space<vmem>>, vector<16xf32>,
        %get3A_91 = arith.index_cast %add3A_80 : i32 to index
        %get3A_92 = arith.constant 16 : index
        %get3A_93 = tpu.vector_load %arg15[%get3A_91, %get3A_92] {strides = array<i32>} : memref<400x32xf32, #tpu.memory_space<vmem>>, vector<16xf32>,
        %get3A_94 = arith.index_cast %add3A_80 : i32 to index
        %get3A_95 = arith.constant 16 : index
        %get3A_96 = tpu.vector_load %arg16[%get3A_94, %get3A_95] {strides = array<i32>} : memref<400x32xf32, #tpu.memory_space<vmem>>, vector<16xf32>,
        %mul3A_97 = arith.mulf %get3A_93, %get3A_96 : vector<16xf32>
        %swap3A_98 = arith.index_cast %add3A_80 : i32 to index
        %swap3A_99 = arith.constant 16 : index
        %swap3A_100 = tpu.vector_load %arg17[%swap3A_98, %swap3A_99] {strides = array<i32>} : memref<400x32xf32, #tpu.memory_space<vmem>>, vector<16xf32>,
        tpu.vector_store %arg17[%swap3A_98, %swap3A_99], %mul3A_97 {strides = array<i32>} : memref<400x32xf32, #tpu.memory_space<vmem>>, vector<16xf32>,
        %mul3A_101 = arith.constant 4 : i32
        %mul3A_102 = arith.muli %scan3A_54, %mul3A_101 : i32
        %add3A_103 = arith.constant 2 : i32
        %add3A_104 = arith.addi %mul3A_102, %add3A_103 : i32
        %get3A_105 = arith.index_cast %add3A_104 : i32 to index
        %get3A_106 = arith.constant 0 : index
        %get3A_107 = tpu.vector_load %arg15[%get3A_105, %get3A_106] {strides = array<i32>} : memref<400x32xf32, #tpu.memory_space<vmem>>, vector<16xf32>,
        %get3A_108 = arith.index_cast %add3A_104 : i32 to index
        %get3A_109 = arith.constant 0 : index
        %get3A_110 = tpu.vector_load %arg16[%get3A_108, %get3A_109] {strides = array<i32>} : memref<400x32xf32, #tpu.memory_space<vmem>>, vector<16xf32>,
        %mul3A_111 = arith.mulf %get3A_107, %get3A_110 : vector<16xf32>
        %swap3A_112 = arith.index_cast %add3A_104 : i32 to index
        %swap3A_113 = arith.constant 0 : index
        %swap3A_114 = tpu.vector_load %arg17[%swap3A_112, %swap3A_113] {strides = array<i32>} : memref<400x32xf32, #tpu.memory_space<vmem>>, vector<16xf32>,
        tpu.vector_store %arg17[%swap3A_112, %swap3A_113], %mul3A_111 {strides = array<i32>} : memref<400x32xf32, #tpu.memory_space<vmem>>, vector<16xf32>,
        %get3A_115 = arith.index_cast %add3A_104 : i32 to index
        %get3A_116 = arith.constant 16 : index
        %get3A_117 = tpu.vector_load %arg15[%get3A_115, %get3A_116] {strides = array<i32>} : memref<400x32xf32, #tpu.memory_space<vmem>>, vector<16xf32>,
        %get3A_118 = arith.index_cast %add3A_104 : i32 to index
        %get3A_119 = arith.constant 16 : index
        %get3A_120 = tpu.vector_load %arg16[%get3A_118, %get3A_119] {strides = array<i32>} : memref<400x32xf32, #tpu.memory_space<vmem>>, vector<16xf32>,
        %mul3A_121 = arith.mulf %get3A_117, %get3A_120 : vector<16xf32>
        %swap3A_122 = arith.index_cast %add3A_104 : i32 to index
        %swap3A_123 = arith.constant 16 : index
        %swap3A_124 = tpu.vector_load %arg17[%swap3A_122, %swap3A_123] {strides = array<i32>} : memref<400x32xf32, #tpu.memory_space<vmem>>, vector<16xf32>,
        tpu.vector_store %arg17[%swap3A_122, %swap3A_123], %mul3A_121 {strides = array<i32>} : memref<400x32xf32, #tpu.memory_space<vmem>>, vector<16xf32>,
        %mul3A_125 = arith.constant 4 : i32
        %mul3A_126 = arith.muli %scan3A_54, %mul3A_125 : i32
        %add3A_127 = arith.constant 3 : i32
        %add3A_128 = arith.addi %mul3A_126, %add3A_127 : i32
        %get3A_129 = arith.index_cast %add3A_128 : i32 to index
        %get3A_130 = arith.constant 0 : index
        %get3A_131 = tpu.vector_load %arg15[%get3A_129, %get3A_130] {strides = array<i32>} : memref<400x32xf32, #tpu.memory_space<vmem>>, vector<16xf32>,
        %get3A_132 = arith.index_cast %add3A_128 : i32 to index
        %get3A_133 = arith.constant 0 : index
        %get3A_134 = tpu.vector_load %arg16[%get3A_132, %get3A_133] {strides = array<i32>} : memref<400x32xf32, #tpu.memory_space<vmem>>, vector<16xf32>,
        %mul3A_135 = arith.mulf %get3A_131, %get3A_134 : vector<16xf32>
        %swap3A_136 = arith.index_cast %add3A_128 : i32 to index
        %swap3A_137 = arith.constant 0 : index
        %swap3A_138 = tpu.vector_load %arg17[%swap3A_136, %swap3A_137] {strides = array<i32>} : memref<400x32xf32, #tpu.memory_space<vmem>>, vector<16xf32>,
        tpu.vector_store %arg17[%swap3A_136, %swap3A_137], %mul3A_135 {strides = array<i32>} : memref<400x32xf32, #tpu.memory_space<vmem>>, vector<16xf32>,
        %get3A_139 = arith.index_cast %add3A_128 : i32 to index
        %get3A_140 = arith.constant 16 : index
        %get3A_141 = tpu.vector_load %arg15[%get3A_139, %get3A_140] {strides = array<i32>} : memref<400x32xf32, #tpu.memory_space<vmem>>, vector<16xf32>,
        %get3A_142 = arith.index_cast %add3A_128 : i32 to index
        %get3A_143 = arith.constant 16 : index
        %get3A_144 = tpu.vector_load %arg16[%get3A_142, %get3A_143] {strides = array<i32>} : memref<400x32xf32, #tpu.memory_space<vmem>>, vector<16xf32>,
        %mul3A_145 = arith.mulf %get3A_141, %get3A_144 : vector<16xf32>
        %swap3A_146 = arith.index_cast %add3A_128 : i32 to index
        %swap3A_147 = arith.constant 16 : index
        %swap3A_148 = tpu.vector_load %arg17[%swap3A_146, %swap3A_147] {strides = array<i32>} : memref<400x32xf32, #tpu.memory_space<vmem>>, vector<16xf32>,
        tpu.vector_store %arg17[%swap3A_146, %swap3A_147], %mul3A_145 {strides = array<i32>} : memref<400x32xf32, #tpu.memory_space<vmem>>, vector<16xf32>,
      }
      %scan3A_52 = arith.constant 100 : i32
      %add3A_53 = arith.addi %mul3A_2, %mul3A_22 : i32
      "tpu.region"() ({
        %run_scoped3A = tpu.sem_alloc : memref<!tpu.dma_semaphore, #tpu.memory_space<semaphore_mem>>
        %dma_start3A_54 = arith.constant 0 : i32
        %dma_start3A_55 = tpu.memref_slice %arg8[%add3A_53, %dma_start3A_54] : memref<1280000x32xf32, #tpu.memory_space<hbm>> -> memref<400x32xf32, #tpu.memory_space<hbm>>
        %dma_start3A_56 = arith.constant 0 : i32
        %dma_start3A_57 = tpu.memref_slice %arg8[%add3A_53, %dma_start3A_56] : memref<1280000x32xf32, #tpu.memory_space<hbm>> -> memref<400x32xf32, #tpu.memory_space<hbm>>
        tpu.enqueue_dma source(%arg17 : memref<400x32xf32, #tpu.memory_space<vmem>>) target(%dma_start3A_57 : memref<400x32xf32, #tpu.memory_space<hbm>>) target_semaphore(%run_scoped3A : memref<!tpu.dma_semaphore, #tpu.memory_space<semaphore_mem>>)
        %dma_wait3A_58 = arith.constant 0 : i32
        %dma_wait3A_59 = tpu.memref_slice %arg8[%add3A_53, %dma_wait3A_58] : memref<1280000x32xf32, #tpu.memory_space<hbm>> -> memref<400x32xf32, #tpu.memory_space<hbm>>
        %dma_wait3A_60 = arith.constant 0 : i32
        %dma_wait3A_61 = tpu.memref_slice %arg8[%add3A_53, %dma_wait3A_60] : memref<1280000x32xf32, #tpu.memory_space<hbm>> -> memref<400x32xf32, #tpu.memory_space<hbm>>
        tpu.wait_dma2 semaphore(%run_scoped3A : memref<!tpu.dma_semaphore, #tpu.memory_space<semaphore_mem>>) src(%arg17 : memref<400x32xf32, #tpu.memory_space<vmem>>) dst(%dma_wait3A_61 : memref<400x32xf32, #tpu.memory_space<hbm>>)
        tpu.yield
      }) : () -> ()
    }
    %scan3A_19 = arith.constant 100 : i32
    return
  }
}

module attributes {stable_mosaic.version = 14 : i64} {
  func.func @_cb_body(%arg0: i32, %arg1: memref<2000x16xf32, #tpu.memory_space<vmem>>, %arg2: memref<16x32xf32, #tpu.memory_space<vmem>>, %arg3: memref<2000x32xf32, #tpu.memory_space<vmem>>) attributes {dimension_semantics = [#tpu.dimension_semantics<arbitrary>], iteration_bounds = array<i64: 320>, scalar_prefetch = 0 : i64, scratch_operands = 0 : i64, tpu.core_type = #tpu.core_type<tc>, window_params = [{transform_indices = @transform_0, window_bounds = array<i64: 2000, 16>}, {pipeline_mode = #tpu.pipeline_mode<synchronous>, transform_indices = @transform_1, window_bounds = array<i64: 16, 32>}, {transform_indices = @transform_2, window_bounds = array<i64: 2000, 32>}]} {
    %get3A = arith.constant 0 : index
    %get3A_0 = arith.constant 0 : index
    %get3A_1 = vector.load %arg1[%get3A, %get3A_0] : memref<2000x16xf32, #tpu.memory_space<vmem>>, vector<2000x16xf32>
    %get3A_2 = arith.constant 0 : index
    %get3A_3 = arith.constant 0 : index
    %get3A_4 = vector.load %arg2[%get3A_2, %get3A_3] : memref<16x32xf32, #tpu.memory_space<vmem>>, vector<16x32xf32>
    %dot_general3A = arith.constant dense<0.000000e+00> : vector<2000x32xf32>
    %dot_general3A_5 = tpu.matmul %get3A_1, %get3A_4, %dot_general3A {dimension_numbers = #tpu.dot_dimension_numbers<[1], [0], [0], [1], [0, 0, 1, 1], [], []>, transpose_lhs_hint = false} : vector<2000x16xf32>, vector<16x32xf32>, vector<2000x32xf32> -> vector<2000x32xf32>
    %swap3A = arith.constant 0 : index
    %swap3A_6 = arith.constant 0 : index
    %swap3A_7 = vector.load %arg3[%swap3A, %swap3A_6] : memref<2000x32xf32, #tpu.memory_space<vmem>>, vector<2000x32xf32>
    tpu.vector_store %arg3[%swap3A, %swap3A_6], %dot_general3A_5 {strides = array<i32>} : memref<2000x32xf32, #tpu.memory_space<vmem>>, vector<2000x32xf32>,
    return
  }
  func.func @transform_0(%arg0: i32) -> (i32, i32) {
    %c0_i32 = arith.constant 0 : i32
    %c0_i32_0 = arith.constant 0 : i32
    return %arg0, %c0_i32 : i32, i32
  }
  func.func @transform_1(%arg0: i32) -> (i32, i32) {
    %c0_i32 = arith.constant 0 : i32
    %c0_i32_0 = arith.constant 0 : i32
    %c0_i32_1 = arith.constant 0 : i32
    return %c0_i32, %c0_i32_0 : i32, i32
  }
  func.func @transform_2(%arg0: i32) -> (i32, i32) {
    %c0_i32 = arith.constant 0 : i32
    %c0_i32_0 = arith.constant 0 : i32
    return %arg0, %c0_i32 : i32, i32
  }
}

module attributes {stable_mosaic.version = 14 : i64} {
  func.func @_stage1_body(%arg0: i32, %arg1: memref<1000x256xf32, #tpu.memory_space<vmem>>, %arg2: memref<1000x16xf32, #tpu.memory_space<vmem>>, %arg3: memref<256x256xf32, #tpu.memory_space<vmem>>, %arg4: memref<16x256xf32, #tpu.memory_space<vmem>>, %arg5: memref<256x32xf32, #tpu.memory_space<vmem>>, %arg6: memref<1000x32xf32, #tpu.memory_space<vmem>>) attributes {dimension_semantics = [#tpu.dimension_semantics<arbitrary>], iteration_bounds = array<i64: 160>, scalar_prefetch = 0 : i64, scratch_operands = 0 : i64, tpu.core_type = #tpu.core_type<tc>, window_params = [{transform_indices = @transform_0, window_bounds = array<i64: 1000, 256>}, {transform_indices = @transform_1, window_bounds = array<i64: 1000, 16>}, {pipeline_mode = #tpu.pipeline_mode<synchronous>, transform_indices = @transform_2, window_bounds = array<i64: 256, 256>}, {pipeline_mode = #tpu.pipeline_mode<synchronous>, transform_indices = @transform_3, window_bounds = array<i64: 16, 256>}, {pipeline_mode = #tpu.pipeline_mode<synchronous>, transform_indices = @transform_4, window_bounds = array<i64: 256, 32>}, {transform_indices = @transform_5, window_bounds = array<i64: 1000, 32>}]} {
    %get3A = arith.constant 0 : index
    %get3A_0 = arith.constant 0 : index
    %get3A_1 = vector.load %arg1[%get3A, %get3A_0] : memref<1000x256xf32, #tpu.memory_space<vmem>>, vector<1000x256xf32>
    %get3A_2 = arith.constant 0 : index
    %get3A_3 = arith.constant 0 : index
    %get3A_4 = vector.load %arg3[%get3A_2, %get3A_3] : memref<256x256xf32, #tpu.memory_space<vmem>>, vector<256x256xf32>
    %dot_general3A = arith.constant dense<0.000000e+00> : vector<1000x256xf32>
    %dot_general3A_5 = tpu.matmul %get3A_1, %get3A_4, %dot_general3A {dimension_numbers = #tpu.dot_dimension_numbers<[1], [0], [0], [1], [0, 0, 1, 1], [], []>, transpose_lhs_hint = false} : vector<1000x256xf32>, vector<256x256xf32>, vector<1000x256xf32> -> vector<1000x256xf32>
    %get3A_6 = arith.constant 0 : index
    %get3A_7 = arith.constant 0 : index
    %get3A_8 = vector.load %arg2[%get3A_6, %get3A_7] : memref<1000x16xf32, #tpu.memory_space<vmem>>, vector<1000x16xf32>
    %get3A_9 = arith.constant 0 : index
    %get3A_10 = arith.constant 0 : index
    %get3A_11 = vector.load %arg4[%get3A_9, %get3A_10] : memref<16x256xf32, #tpu.memory_space<vmem>>, vector<16x256xf32>
    %dot_general3A_12 = arith.constant dense<0.000000e+00> : vector<1000x256xf32>
    %dot_general3A_13 = tpu.matmul %get3A_8, %get3A_11, %dot_general3A_12 {dimension_numbers = #tpu.dot_dimension_numbers<[1], [0], [0], [1], [0, 0, 1, 1], [], []>, transpose_lhs_hint = false} : vector<1000x16xf32>, vector<16x256xf32>, vector<1000x256xf32> -> vector<1000x256xf32>
    %mul3A = arith.mulf %dot_general3A_5, %dot_general3A_13 : vector<1000x256xf32>
    %get3A_14 = arith.constant 0 : index
    %get3A_15 = arith.constant 0 : index
    %get3A_16 = vector.load %arg5[%get3A_14, %get3A_15] : memref<256x32xf32, #tpu.memory_space<vmem>>, vector<256x32xf32>
    %dot_general3A_17 = arith.constant dense<0.000000e+00> : vector<1000x32xf32>
    %dot_general3A_18 = tpu.matmul %mul3A, %get3A_16, %dot_general3A_17 {dimension_numbers = #tpu.dot_dimension_numbers<[1], [0], [0], [1], [0, 0, 1, 1], [], []>, transpose_lhs_hint = false} : vector<1000x256xf32>, vector<256x32xf32>, vector<1000x32xf32> -> vector<1000x32xf32>
    %swap3A = arith.constant 0 : index
    %swap3A_19 = arith.constant 0 : index
    %swap3A_20 = vector.load %arg6[%swap3A, %swap3A_19] : memref<1000x32xf32, #tpu.memory_space<vmem>>, vector<1000x32xf32>
    tpu.vector_store %arg6[%swap3A, %swap3A_19], %dot_general3A_18 {strides = array<i32>} : memref<1000x32xf32, #tpu.memory_space<vmem>>, vector<1000x32xf32>,
    return
  }
  func.func @transform_0(%arg0: i32) -> (i32, i32) {
    %c0_i32 = arith.constant 0 : i32
    %c0_i32_0 = arith.constant 0 : i32
    return %arg0, %c0_i32 : i32, i32
  }
  func.func @transform_1(%arg0: i32) -> (i32, i32) {
    %c0_i32 = arith.constant 0 : i32
    %c0_i32_0 = arith.constant 0 : i32
    return %arg0, %c0_i32 : i32, i32
  }
  func.func @transform_2(%arg0: i32) -> (i32, i32) {
    %c0_i32 = arith.constant 0 : i32
    %c0_i32_0 = arith.constant 0 : i32
    %c0_i32_1 = arith.constant 0 : i32
    return %c0_i32, %c0_i32_0 : i32, i32
  }
  func.func @transform_3(%arg0: i32) -> (i32, i32) {
    %c0_i32 = arith.constant 0 : i32
    %c0_i32_0 = arith.constant 0 : i32
    %c0_i32_1 = arith.constant 0 : i32
    return %c0_i32, %c0_i32_0 : i32, i32
  }
  func.func @transform_4(%arg0: i32) -> (i32, i32) {
    %c0_i32 = arith.constant 0 : i32
    %c0_i32_0 = arith.constant 0 : i32
    %c0_i32_1 = arith.constant 0 : i32
    return %c0_i32, %c0_i32_0 : i32, i32
  }
  func.func @transform_5(%arg0: i32) -> (i32, i32) {
    %c0_i32 = arith.constant 0 : i32
    %c0_i32_0 = arith.constant 0 : i32
    return %arg0, %c0_i32 : i32, i32
  }
}

module attributes {stable_mosaic.version = 14 : i64} {
  func.func @_stageD_body(%arg0: i32, %arg1: memref<800x256xf32, #tpu.memory_space<vmem>>, %arg2: memref<800x64xf32, #tpu.memory_space<vmem>>, %arg3: memref<800x256xf32, #tpu.memory_space<vmem>>, %arg4: memref<1024x32xf32, #tpu.memory_space<vmem>>, %arg5: memref<8x256xf32, #tpu.memory_space<vmem>>, %arg6: memref<32x256xf32, #tpu.memory_space<vmem>>, %arg7: memref<32x1024xf32, #tpu.memory_space<vmem>>, %arg8: memref<32x1024xf32, #tpu.memory_space<vmem>>, %arg9: memref<800x32xf32, #tpu.memory_space<vmem>>) attributes {dimension_semantics = [#tpu.dimension_semantics<arbitrary>], iteration_bounds = array<i64: 200>, scalar_prefetch = 0 : i64, scratch_operands = 0 : i64, tpu.core_type = #tpu.core_type<tc>, window_params = [{transform_indices = @transform_0, window_bounds = array<i64: 800, 256>}, {transform_indices = @transform_1, window_bounds = array<i64: 800, 64>}, {transform_indices = @transform_2, window_bounds = array<i64: 800, 256>}, {pipeline_mode = #tpu.pipeline_mode<synchronous>, transform_indices = @transform_3, window_bounds = array<i64: 1024, 32>}, {pipeline_mode = #tpu.pipeline_mode<synchronous>, transform_indices = @transform_4, window_bounds = array<i64: 8, 256>}, {pipeline_mode = #tpu.pipeline_mode<synchronous>, transform_indices = @transform_5, window_bounds = array<i64: 32, 256>}, {pipeline_mode = #tpu.pipeline_mode<synchronous>, transform_indices = @transform_6, window_bounds = array<i64: 32, 1024>}, {pipeline_mode = #tpu.pipeline_mode<synchronous>, transform_indices = @transform_7, window_bounds = array<i64: 32, 1024>}, {transform_indices = @transform_8, window_bounds = array<i64: 800, 32>}]} {
    %broadcast_in_dim3A = arith.constant 0.000000e+00 : f32
    %broadcast_in_dim3A_0 = vector.broadcast %broadcast_in_dim3A : f32 to vector<800x256xf32>
    %get3A = arith.constant 0 : index
    %get3A_1 = arith.constant 0 : index
    %get3A_2 = vector.load %arg2[%get3A, %get3A_1] : memref<800x64xf32, #tpu.memory_space<vmem>>, vector<800x8xf32>
    %get3A_3 = arith.constant 0 : index
    %get3A_4 = arith.constant 0 : index
    %get3A_5 = vector.load %arg1[%get3A_3, %get3A_4] : memref<800x256xf32, #tpu.memory_space<vmem>>, vector<800x32xf32>
    %get3A_6 = arith.constant 0 : index
    %get3A_7 = arith.constant 0 : index
    %get3A_8 = vector.load %arg5[%get3A_6, %get3A_7] : memref<8x256xf32, #tpu.memory_space<vmem>>, vector<8x256xf32>
    %dot_general3A = arith.constant dense<0.000000e+00> : vector<800x256xf32>
    %dot_general3A_9 = tpu.matmul %get3A_2, %get3A_8, %dot_general3A {dimension_numbers = #tpu.dot_dimension_numbers<[1], [0], [0], [1], [0, 0, 1, 1], [], []>, transpose_lhs_hint = false} : vector<800x8xf32>, vector<8x256xf32>, vector<800x256xf32> -> vector<800x256xf32>
    %get3A_10 = arith.constant 0 : index
    %get3A_11 = arith.constant 0 : index
    %get3A_12 = vector.load %arg6[%get3A_10, %get3A_11] : memref<32x256xf32, #tpu.memory_space<vmem>>, vector<32x256xf32>
    %dot_general3A_13 = arith.constant dense<0.000000e+00> : vector<800x256xf32>
    %dot_general3A_14 = tpu.matmul %get3A_5, %get3A_12, %dot_general3A_13 {dimension_numbers = #tpu.dot_dimension_numbers<[1], [0], [0], [1], [0, 0, 1, 1], [], []>, transpose_lhs_hint = false} : vector<800x32xf32>, vector<32x256xf32>, vector<800x256xf32> -> vector<800x256xf32>
    %mul3A = arith.mulf %dot_general3A_9, %dot_general3A_14 : vector<800x256xf32>
    %add3A = arith.addf %broadcast_in_dim3A_0, %mul3A : vector<800x256xf32>
    %get3A_15 = arith.constant 0 : index
    %get3A_16 = arith.constant 8 : index
    %get3A_17 = vector.load %arg2[%get3A_15, %get3A_16] : memref<800x64xf32, #tpu.memory_space<vmem>>, vector<800x8xf32>
    %get3A_18 = arith.constant 0 : index
    %get3A_19 = arith.constant 32 : index
    %get3A_20 = vector.load %arg1[%get3A_18, %get3A_19] : memref<800x256xf32, #tpu.memory_space<vmem>>, vector<800x32xf32>
    %get3A_21 = arith.constant 0 : index
    %get3A_22 = arith.constant 0 : index
    %get3A_23 = vector.load %arg5[%get3A_21, %get3A_22] : memref<8x256xf32, #tpu.memory_space<vmem>>, vector<8x256xf32>
    %dot_general3A_24 = arith.constant dense<0.000000e+00> : vector<800x256xf32>
    %dot_general3A_25 = tpu.matmul %get3A_17, %get3A_23, %dot_general3A_24 {dimension_numbers = #tpu.dot_dimension_numbers<[1], [0], [0], [1], [0, 0, 1, 1], [], []>, transpose_lhs_hint = false} : vector<800x8xf32>, vector<8x256xf32>, vector<800x256xf32> -> vector<800x256xf32>
    %get3A_26 = arith.constant 0 : index
    %get3A_27 = arith.constant 0 : index
    %get3A_28 = vector.load %arg6[%get3A_26, %get3A_27] : memref<32x256xf32, #tpu.memory_space<vmem>>, vector<32x256xf32>
    %dot_general3A_29 = arith.constant dense<0.000000e+00> : vector<800x256xf32>
    %dot_general3A_30 = tpu.matmul %get3A_20, %get3A_28, %dot_general3A_29 {dimension_numbers = #tpu.dot_dimension_numbers<[1], [0], [0], [1], [0, 0, 1, 1], [], []>, transpose_lhs_hint = false} : vector<800x32xf32>, vector<32x256xf32>, vector<800x256xf32> -> vector<800x256xf32>
    %mul3A_31 = arith.mulf %dot_general3A_25, %dot_general3A_30 : vector<800x256xf32>
    %add3A_32 = arith.addf %add3A, %mul3A_31 : vector<800x256xf32>
    %get3A_33 = arith.constant 0 : index
    %get3A_34 = arith.constant 16 : index
    %get3A_35 = vector.load %arg2[%get3A_33, %get3A_34] : memref<800x64xf32, #tpu.memory_space<vmem>>, vector<800x8xf32>
    %get3A_36 = arith.constant 0 : index
    %get3A_37 = arith.constant 64 : index
    %get3A_38 = vector.load %arg1[%get3A_36, %get3A_37] : memref<800x256xf32, #tpu.memory_space<vmem>>, vector<800x32xf32>
    %get3A_39 = arith.constant 0 : index
    %get3A_40 = arith.constant 0 : index
    %get3A_41 = vector.load %arg5[%get3A_39, %get3A_40] : memref<8x256xf32, #tpu.memory_space<vmem>>, vector<8x256xf32>
    %dot_general3A_42 = arith.constant dense<0.000000e+00> : vector<800x256xf32>
    %dot_general3A_43 = tpu.matmul %get3A_35, %get3A_41, %dot_general3A_42 {dimension_numbers = #tpu.dot_dimension_numbers<[1], [0], [0], [1], [0, 0, 1, 1], [], []>, transpose_lhs_hint = false} : vector<800x8xf32>, vector<8x256xf32>, vector<800x256xf32> -> vector<800x256xf32>
    %get3A_44 = arith.constant 0 : index
    %get3A_45 = arith.constant 0 : index
    %get3A_46 = vector.load %arg6[%get3A_44, %get3A_45] : memref<32x256xf32, #tpu.memory_space<vmem>>, vector<32x256xf32>
    %dot_general3A_47 = arith.constant dense<0.000000e+00> : vector<800x256xf32>
    %dot_general3A_48 = tpu.matmul %get3A_38, %get3A_46, %dot_general3A_47 {dimension_numbers = #tpu.dot_dimension_numbers<[1], [0], [0], [1], [0, 0, 1, 1], [], []>, transpose_lhs_hint = false} : vector<800x32xf32>, vector<32x256xf32>, vector<800x256xf32> -> vector<800x256xf32>
    %mul3A_49 = arith.mulf %dot_general3A_43, %dot_general3A_48 : vector<800x256xf32>
    %add3A_50 = arith.addf %add3A_32, %mul3A_49 : vector<800x256xf32>
    %get3A_51 = arith.constant 0 : index
    %get3A_52 = arith.constant 24 : index
    %get3A_53 = vector.load %arg2[%get3A_51, %get3A_52] : memref<800x64xf32, #tpu.memory_space<vmem>>, vector<800x8xf32>
    %get3A_54 = arith.constant 0 : index
    %get3A_55 = arith.constant 96 : index
    %get3A_56 = vector.load %arg1[%get3A_54, %get3A_55] : memref<800x256xf32, #tpu.memory_space<vmem>>, vector<800x32xf32>
    %get3A_57 = arith.constant 0 : index
    %get3A_58 = arith.constant 0 : index
    %get3A_59 = vector.load %arg5[%get3A_57, %get3A_58] : memref<8x256xf32, #tpu.memory_space<vmem>>, vector<8x256xf32>
    %dot_general3A_60 = arith.constant dense<0.000000e+00> : vector<800x256xf32>
    %dot_general3A_61 = tpu.matmul %get3A_53, %get3A_59, %dot_general3A_60 {dimension_numbers = #tpu.dot_dimension_numbers<[1], [0], [0], [1], [0, 0, 1, 1], [], []>, transpose_lhs_hint = false} : vector<800x8xf32>, vector<8x256xf32>, vector<800x256xf32> -> vector<800x256xf32>
    %get3A_62 = arith.constant 0 : index
    %get3A_63 = arith.constant 0 : index
    %get3A_64 = vector.load %arg6[%get3A_62, %get3A_63] : memref<32x256xf32, #tpu.memory_space<vmem>>, vector<32x256xf32>
    %dot_general3A_65 = arith.constant dense<0.000000e+00> : vector<800x256xf32>
    %dot_general3A_66 = tpu.matmul %get3A_56, %get3A_64, %dot_general3A_65 {dimension_numbers = #tpu.dot_dimension_numbers<[1], [0], [0], [1], [0, 0, 1, 1], [], []>, transpose_lhs_hint = false} : vector<800x32xf32>, vector<32x256xf32>, vector<800x256xf32> -> vector<800x256xf32>
    %mul3A_67 = arith.mulf %dot_general3A_61, %dot_general3A_66 : vector<800x256xf32>
    %add3A_68 = arith.addf %add3A_50, %mul3A_67 : vector<800x256xf32>
    %get3A_69 = arith.constant 0 : index
    %get3A_70 = arith.constant 32 : index
    %get3A_71 = vector.load %arg2[%get3A_69, %get3A_70] : memref<800x64xf32, #tpu.memory_space<vmem>>, vector<800x8xf32>
    %get3A_72 = arith.constant 0 : index
    %get3A_73 = arith.constant 128 : index
    %get3A_74 = vector.load %arg1[%get3A_72, %get3A_73] : memref<800x256xf32, #tpu.memory_space<vmem>>, vector<800x32xf32>
    %get3A_75 = arith.constant 0 : index
    %get3A_76 = arith.constant 0 : index
    %get3A_77 = vector.load %arg5[%get3A_75, %get3A_76] : memref<8x256xf32, #tpu.memory_space<vmem>>, vector<8x256xf32>
    %dot_general3A_78 = arith.constant dense<0.000000e+00> : vector<800x256xf32>
    %dot_general3A_79 = tpu.matmul %get3A_71, %get3A_77, %dot_general3A_78 {dimension_numbers = #tpu.dot_dimension_numbers<[1], [0], [0], [1], [0, 0, 1, 1], [], []>, transpose_lhs_hint = false} : vector<800x8xf32>, vector<8x256xf32>, vector<800x256xf32> -> vector<800x256xf32>
    %get3A_80 = arith.constant 0 : index
    %get3A_81 = arith.constant 0 : index
    %get3A_82 = vector.load %arg6[%get3A_80, %get3A_81] : memref<32x256xf32, #tpu.memory_space<vmem>>, vector<32x256xf32>
    %dot_general3A_83 = arith.constant dense<0.000000e+00> : vector<800x256xf32>
    %dot_general3A_84 = tpu.matmul %get3A_74, %get3A_82, %dot_general3A_83 {dimension_numbers = #tpu.dot_dimension_numbers<[1], [0], [0], [1], [0, 0, 1, 1], [], []>, transpose_lhs_hint = false} : vector<800x32xf32>, vector<32x256xf32>, vector<800x256xf32> -> vector<800x256xf32>
    %mul3A_85 = arith.mulf %dot_general3A_79, %dot_general3A_84 : vector<800x256xf32>
    %add3A_86 = arith.addf %add3A_68, %mul3A_85 : vector<800x256xf32>
    %get3A_87 = arith.constant 0 : index
    %get3A_88 = arith.constant 40 : index
    %get3A_89 = vector.load %arg2[%get3A_87, %get3A_88] : memref<800x64xf32, #tpu.memory_space<vmem>>, vector<800x8xf32>
    %get3A_90 = arith.constant 0 : index
    %get3A_91 = arith.constant 160 : index
    %get3A_92 = vector.load %arg1[%get3A_90, %get3A_91] : memref<800x256xf32, #tpu.memory_space<vmem>>, vector<800x32xf32>
    %get3A_93 = arith.constant 0 : index
    %get3A_94 = arith.constant 0 : index
    %get3A_95 = vector.load %arg5[%get3A_93, %get3A_94] : memref<8x256xf32, #tpu.memory_space<vmem>>, vector<8x256xf32>
    %dot_general3A_96 = arith.constant dense<0.000000e+00> : vector<800x256xf32>
    %dot_general3A_97 = tpu.matmul %get3A_89, %get3A_95, %dot_general3A_96 {dimension_numbers = #tpu.dot_dimension_numbers<[1], [0], [0], [1], [0, 0, 1, 1], [], []>, transpose_lhs_hint = false} : vector<800x8xf32>, vector<8x256xf32>, vector<800x256xf32> -> vector<800x256xf32>
    %get3A_98 = arith.constant 0 : index
    %get3A_99 = arith.constant 0 : index
    %get3A_100 = vector.load %arg6[%get3A_98, %get3A_99] : memref<32x256xf32, #tpu.memory_space<vmem>>, vector<32x256xf32>
    %dot_general3A_101 = arith.constant dense<0.000000e+00> : vector<800x256xf32>
    %dot_general3A_102 = tpu.matmul %get3A_92, %get3A_100, %dot_general3A_101 {dimension_numbers = #tpu.dot_dimension_numbers<[1], [0], [0], [1], [0, 0, 1, 1], [], []>, transpose_lhs_hint = false} : vector<800x32xf32>, vector<32x256xf32>, vector<800x256xf32> -> vector<800x256xf32>
    %mul3A_103 = arith.mulf %dot_general3A_97, %dot_general3A_102 : vector<800x256xf32>
    %add3A_104 = arith.addf %add3A_86, %mul3A_103 : vector<800x256xf32>
    %get3A_105 = arith.constant 0 : index
    %get3A_106 = arith.constant 48 : index
    %get3A_107 = vector.load %arg2[%get3A_105, %get3A_106] : memref<800x64xf32, #tpu.memory_space<vmem>>, vector<800x8xf32>
    %get3A_108 = arith.constant 0 : index
    %get3A_109 = arith.constant 192 : index
    %get3A_110 = vector.load %arg1[%get3A_108, %get3A_109] : memref<800x256xf32, #tpu.memory_space<vmem>>, vector<800x32xf32>
    %get3A_111 = arith.constant 0 : index
    %get3A_112 = arith.constant 0 : index
    %get3A_113 = vector.load %arg5[%get3A_111, %get3A_112] : memref<8x256xf32, #tpu.memory_space<vmem>>, vector<8x256xf32>
    %dot_general3A_114 = arith.constant dense<0.000000e+00> : vector<800x256xf32>
    %dot_general3A_115 = tpu.matmul %get3A_107, %get3A_113, %dot_general3A_114 {dimension_numbers = #tpu.dot_dimension_numbers<[1], [0], [0], [1], [0, 0, 1, 1], [], []>, transpose_lhs_hint = false} : vector<800x8xf32>, vector<8x256xf32>, vector<800x256xf32> -> vector<800x256xf32>
    %get3A_116 = arith.constant 0 : index
    %get3A_117 = arith.constant 0 : index
    %get3A_118 = vector.load %arg6[%get3A_116, %get3A_117] : memref<32x256xf32, #tpu.memory_space<vmem>>, vector<32x256xf32>
    %dot_general3A_119 = arith.constant dense<0.000000e+00> : vector<800x256xf32>
    %dot_general3A_120 = tpu.matmul %get3A_110, %get3A_118, %dot_general3A_119 {dimension_numbers = #tpu.dot_dimension_numbers<[1], [0], [0], [1], [0, 0, 1, 1], [], []>, transpose_lhs_hint = false} : vector<800x32xf32>, vector<32x256xf32>, vector<800x256xf32> -> vector<800x256xf32>
    %mul3A_121 = arith.mulf %dot_general3A_115, %dot_general3A_120 : vector<800x256xf32>
    %add3A_122 = arith.addf %add3A_104, %mul3A_121 : vector<800x256xf32>
    %get3A_123 = arith.constant 0 : index
    %get3A_124 = arith.constant 56 : index
    %get3A_125 = vector.load %arg2[%get3A_123, %get3A_124] : memref<800x64xf32, #tpu.memory_space<vmem>>, vector<800x8xf32>
    %get3A_126 = arith.constant 0 : index
    %get3A_127 = arith.constant 224 : index
    %get3A_128 = vector.load %arg1[%get3A_126, %get3A_127] : memref<800x256xf32, #tpu.memory_space<vmem>>, vector<800x32xf32>
    %get3A_129 = arith.constant 0 : index
    %get3A_130 = arith.constant 0 : index
    %get3A_131 = vector.load %arg5[%get3A_129, %get3A_130] : memref<8x256xf32, #tpu.memory_space<vmem>>, vector<8x256xf32>
    %dot_general3A_132 = arith.constant dense<0.000000e+00> : vector<800x256xf32>
    %dot_general3A_133 = tpu.matmul %get3A_125, %get3A_131, %dot_general3A_132 {dimension_numbers = #tpu.dot_dimension_numbers<[1], [0], [0], [1], [0, 0, 1, 1], [], []>, transpose_lhs_hint = false} : vector<800x8xf32>, vector<8x256xf32>, vector<800x256xf32> -> vector<800x256xf32>
    %get3A_134 = arith.constant 0 : index
    %get3A_135 = arith.constant 0 : index
    %get3A_136 = vector.load %arg6[%get3A_134, %get3A_135] : memref<32x256xf32, #tpu.memory_space<vmem>>, vector<32x256xf32>
    %dot_general3A_137 = arith.constant dense<0.000000e+00> : vector<800x256xf32>
    %dot_general3A_138 = tpu.matmul %get3A_128, %get3A_136, %dot_general3A_137 {dimension_numbers = #tpu.dot_dimension_numbers<[1], [0], [0], [1], [0, 0, 1, 1], [], []>, transpose_lhs_hint = false} : vector<800x32xf32>, vector<32x256xf32>, vector<800x256xf32> -> vector<800x256xf32>
    %mul3A_139 = arith.mulf %dot_general3A_133, %dot_general3A_138 : vector<800x256xf32>
    %add3A_140 = arith.addf %add3A_122, %mul3A_139 : vector<800x256xf32>
    %broadcast_in_dim3A_141 = arith.constant 0.000000e+00 : f32
    %broadcast_in_dim3A_142 = vector.broadcast %broadcast_in_dim3A_141 : f32 to vector<800x1024xf32>
    %get3A_143 = arith.constant 0 : index
    %get3A_144 = arith.constant 0 : index
    %get3A_145 = vector.load %arg3[%get3A_143, %get3A_144] : memref<800x256xf32, #tpu.memory_space<vmem>>, vector<800x32xf32>
    %slice3A = vector.extract_strided_slice %add3A_140 {offsets = [0, 0], sizes = [800, 32], strides = [1, 1]} : vector<800x256xf32> to vector<800x32xf32>
    %get3A_146 = arith.constant 0 : index
    %get3A_147 = arith.constant 0 : index
    %get3A_148 = vector.load %arg7[%get3A_146, %get3A_147] : memref<32x1024xf32, #tpu.memory_space<vmem>>, vector<32x1024xf32>
    %dot_general3A_149 = arith.constant dense<0.000000e+00> : vector<800x1024xf32>
    %dot_general3A_150 = tpu.matmul %get3A_145, %get3A_148, %dot_general3A_149 {dimension_numbers = #tpu.dot_dimension_numbers<[1], [0], [0], [1], [0, 0, 1, 1], [], []>, transpose_lhs_hint = false} : vector<800x32xf32>, vector<32x1024xf32>, vector<800x1024xf32> -> vector<800x1024xf32>
    %get3A_151 = arith.constant 0 : index
    %get3A_152 = arith.constant 0 : index
    %get3A_153 = vector.load %arg8[%get3A_151, %get3A_152] : memref<32x1024xf32, #tpu.memory_space<vmem>>, vector<32x1024xf32>
    %dot_general3A_154 = arith.constant dense<0.000000e+00> : vector<800x1024xf32>
    %dot_general3A_155 = tpu.matmul %slice3A, %get3A_153, %dot_general3A_154 {dimension_numbers = #tpu.dot_dimension_numbers<[1], [0], [0], [1], [0, 0, 1, 1], [], []>, transpose_lhs_hint = false} : vector<800x32xf32>, vector<32x1024xf32>, vector<800x1024xf32> -> vector<800x1024xf32>
    %mul3A_156 = arith.mulf %dot_general3A_150, %dot_general3A_155 : vector<800x1024xf32>
    %add3A_157 = arith.addf %broadcast_in_dim3A_142, %mul3A_156 : vector<800x1024xf32>
    %get3A_158 = arith.constant 0 : index
    %get3A_159 = arith.constant 32 : index
    %get3A_160 = vector.load %arg3[%get3A_158, %get3A_159] : memref<800x256xf32, #tpu.memory_space<vmem>>, vector<800x32xf32>
    %slice3A_161 = vector.extract_strided_slice %add3A_140 {offsets = [0, 32], sizes = [800, 32], strides = [1, 1]} : vector<800x256xf32> to vector<800x32xf32>
    %get3A_162 = arith.constant 0 : index
    %get3A_163 = arith.constant 0 : index
    %get3A_164 = vector.load %arg7[%get3A_162, %get3A_163] : memref<32x1024xf32, #tpu.memory_space<vmem>>, vector<32x1024xf32>
    %dot_general3A_165 = arith.constant dense<0.000000e+00> : vector<800x1024xf32>
    %dot_general3A_166 = tpu.matmul %get3A_160, %get3A_164, %dot_general3A_165 {dimension_numbers = #tpu.dot_dimension_numbers<[1], [0], [0], [1], [0, 0, 1, 1], [], []>, transpose_lhs_hint = false} : vector<800x32xf32>, vector<32x1024xf32>, vector<800x1024xf32> -> vector<800x1024xf32>
    %get3A_167 = arith.constant 0 : index
    %get3A_168 = arith.constant 0 : index
    %get3A_169 = vector.load %arg8[%get3A_167, %get3A_168] : memref<32x1024xf32, #tpu.memory_space<vmem>>, vector<32x1024xf32>
    %dot_general3A_170 = arith.constant dense<0.000000e+00> : vector<800x1024xf32>
    %dot_general3A_171 = tpu.matmul %slice3A_161, %get3A_169, %dot_general3A_170 {dimension_numbers = #tpu.dot_dimension_numbers<[1], [0], [0], [1], [0, 0, 1, 1], [], []>, transpose_lhs_hint = false} : vector<800x32xf32>, vector<32x1024xf32>, vector<800x1024xf32> -> vector<800x1024xf32>
    %mul3A_172 = arith.mulf %dot_general3A_166, %dot_general3A_171 : vector<800x1024xf32>
    %add3A_173 = arith.addf %add3A_157, %mul3A_172 : vector<800x1024xf32>
    %get3A_174 = arith.constant 0 : index
    %get3A_175 = arith.constant 64 : index
    %get3A_176 = vector.load %arg3[%get3A_174, %get3A_175] : memref<800x256xf32, #tpu.memory_space<vmem>>, vector<800x32xf32>
    %slice3A_177 = vector.extract_strided_slice %add3A_140 {offsets = [0, 64], sizes = [800, 32], strides = [1, 1]} : vector<800x256xf32> to vector<800x32xf32>
    %get3A_178 = arith.constant 0 : index
    %get3A_179 = arith.constant 0 : index
    %get3A_180 = vector.load %arg7[%get3A_178, %get3A_179] : memref<32x1024xf32, #tpu.memory_space<vmem>>, vector<32x1024xf32>
    %dot_general3A_181 = arith.constant dense<0.000000e+00> : vector<800x1024xf32>
    %dot_general3A_182 = tpu.matmul %get3A_176, %get3A_180, %dot_general3A_181 {dimension_numbers = #tpu.dot_dimension_numbers<[1], [0], [0], [1], [0, 0, 1, 1], [], []>, transpose_lhs_hint = false} : vector<800x32xf32>, vector<32x1024xf32>, vector<800x1024xf32> -> vector<800x1024xf32>
    %get3A_183 = arith.constant 0 : index
    %get3A_184 = arith.constant 0 : index
    %get3A_185 = vector.load %arg8[%get3A_183, %get3A_184] : memref<32x1024xf32, #tpu.memory_space<vmem>>, vector<32x1024xf32>
    %dot_general3A_186 = arith.constant dense<0.000000e+00> : vector<800x1024xf32>
    %dot_general3A_187 = tpu.matmul %slice3A_177, %get3A_185, %dot_general3A_186 {dimension_numbers = #tpu.dot_dimension_numbers<[1], [0], [0], [1], [0, 0, 1, 1], [], []>, transpose_lhs_hint = false} : vector<800x32xf32>, vector<32x1024xf32>, vector<800x1024xf32> -> vector<800x1024xf32>
    %mul3A_188 = arith.mulf %dot_general3A_182, %dot_general3A_187 : vector<800x1024xf32>
    %add3A_189 = arith.addf %add3A_173, %mul3A_188 : vector<800x1024xf32>
    %get3A_190 = arith.constant 0 : index
    %get3A_191 = arith.constant 96 : index
    %get3A_192 = vector.load %arg3[%get3A_190, %get3A_191] : memref<800x256xf32, #tpu.memory_space<vmem>>, vector<800x32xf32>
    %slice3A_193 = vector.extract_strided_slice %add3A_140 {offsets = [0, 96], sizes = [800, 32], strides = [1, 1]} : vector<800x256xf32> to vector<800x32xf32>
    %get3A_194 = arith.constant 0 : index
    %get3A_195 = arith.constant 0 : index
    %get3A_196 = vector.load %arg7[%get3A_194, %get3A_195] : memref<32x1024xf32, #tpu.memory_space<vmem>>, vector<32x1024xf32>
    %dot_general3A_197 = arith.constant dense<0.000000e+00> : vector<800x1024xf32>
    %dot_general3A_198 = tpu.matmul %get3A_192, %get3A_196, %dot_general3A_197 {dimension_numbers = #tpu.dot_dimension_numbers<[1], [0], [0], [1], [0, 0, 1, 1], [], []>, transpose_lhs_hint = false} : vector<800x32xf32>, vector<32x1024xf32>, vector<800x1024xf32> -> vector<800x1024xf32>
    %get3A_199 = arith.constant 0 : index
    %get3A_200 = arith.constant 0 : index
    %get3A_201 = vector.load %arg8[%get3A_199, %get3A_200] : memref<32x1024xf32, #tpu.memory_space<vmem>>, vector<32x1024xf32>
    %dot_general3A_202 = arith.constant dense<0.000000e+00> : vector<800x1024xf32>
    %dot_general3A_203 = tpu.matmul %slice3A_193, %get3A_201, %dot_general3A_202 {dimension_numbers = #tpu.dot_dimension_numbers<[1], [0], [0], [1], [0, 0, 1, 1], [], []>, transpose_lhs_hint = false} : vector<800x32xf32>, vector<32x1024xf32>, vector<800x1024xf32> -> vector<800x1024xf32>
    %mul3A_204 = arith.mulf %dot_general3A_198, %dot_general3A_203 : vector<800x1024xf32>
    %add3A_205 = arith.addf %add3A_189, %mul3A_204 : vector<800x1024xf32>
    %get3A_206 = arith.constant 0 : index
    %get3A_207 = arith.constant 128 : index
    %get3A_208 = vector.load %arg3[%get3A_206, %get3A_207] : memref<800x256xf32, #tpu.memory_space<vmem>>, vector<800x32xf32>
    %slice3A_209 = vector.extract_strided_slice %add3A_140 {offsets = [0, 128], sizes = [800, 32], strides = [1, 1]} : vector<800x256xf32> to vector<800x32xf32>
    %get3A_210 = arith.constant 0 : index
    %get3A_211 = arith.constant 0 : index
    %get3A_212 = vector.load %arg7[%get3A_210, %get3A_211] : memref<32x1024xf32, #tpu.memory_space<vmem>>, vector<32x1024xf32>
    %dot_general3A_213 = arith.constant dense<0.000000e+00> : vector<800x1024xf32>
    %dot_general3A_214 = tpu.matmul %get3A_208, %get3A_212, %dot_general3A_213 {dimension_numbers = #tpu.dot_dimension_numbers<[1], [0], [0], [1], [0, 0, 1, 1], [], []>, transpose_lhs_hint = false} : vector<800x32xf32>, vector<32x1024xf32>, vector<800x1024xf32> -> vector<800x1024xf32>
    %get3A_215 = arith.constant 0 : index
    %get3A_216 = arith.constant 0 : index
    %get3A_217 = vector.load %arg8[%get3A_215, %get3A_216] : memref<32x1024xf32, #tpu.memory_space<vmem>>, vector<32x1024xf32>
    %dot_general3A_218 = arith.constant dense<0.000000e+00> : vector<800x1024xf32>
    %dot_general3A_219 = tpu.matmul %slice3A_209, %get3A_217, %dot_general3A_218 {dimension_numbers = #tpu.dot_dimension_numbers<[1], [0], [0], [1], [0, 0, 1, 1], [], []>, transpose_lhs_hint = false} : vector<800x32xf32>, vector<32x1024xf32>, vector<800x1024xf32> -> vector<800x1024xf32>
    %mul3A_220 = arith.mulf %dot_general3A_214, %dot_general3A_219 : vector<800x1024xf32>
    %add3A_221 = arith.addf %add3A_205, %mul3A_220 : vector<800x1024xf32>
    %get3A_222 = arith.constant 0 : index
    %get3A_223 = arith.constant 160 : index
    %get3A_224 = vector.load %arg3[%get3A_222, %get3A_223] : memref<800x256xf32, #tpu.memory_space<vmem>>, vector<800x32xf32>
    %slice3A_225 = vector.extract_strided_slice %add3A_140 {offsets = [0, 160], sizes = [800, 32], strides = [1, 1]} : vector<800x256xf32> to vector<800x32xf32>
    %get3A_226 = arith.constant 0 : index
    %get3A_227 = arith.constant 0 : index
    %get3A_228 = vector.load %arg7[%get3A_226, %get3A_227] : memref<32x1024xf32, #tpu.memory_space<vmem>>, vector<32x1024xf32>
    %dot_general3A_229 = arith.constant dense<0.000000e+00> : vector<800x1024xf32>
    %dot_general3A_230 = tpu.matmul %get3A_224, %get3A_228, %dot_general3A_229 {dimension_numbers = #tpu.dot_dimension_numbers<[1], [0], [0], [1], [0, 0, 1, 1], [], []>, transpose_lhs_hint = false} : vector<800x32xf32>, vector<32x1024xf32>, vector<800x1024xf32> -> vector<800x1024xf32>
    %get3A_231 = arith.constant 0 : index
    %get3A_232 = arith.constant 0 : index
    %get3A_233 = vector.load %arg8[%get3A_231, %get3A_232] : memref<32x1024xf32, #tpu.memory_space<vmem>>, vector<32x1024xf32>
    %dot_general3A_234 = arith.constant dense<0.000000e+00> : vector<800x1024xf32>
    %dot_general3A_235 = tpu.matmul %slice3A_225, %get3A_233, %dot_general3A_234 {dimension_numbers = #tpu.dot_dimension_numbers<[1], [0], [0], [1], [0, 0, 1, 1], [], []>, transpose_lhs_hint = false} : vector<800x32xf32>, vector<32x1024xf32>, vector<800x1024xf32> -> vector<800x1024xf32>
    %mul3A_236 = arith.mulf %dot_general3A_230, %dot_general3A_235 : vector<800x1024xf32>
    %add3A_237 = arith.addf %add3A_221, %mul3A_236 : vector<800x1024xf32>
    %get3A_238 = arith.constant 0 : index
    %get3A_239 = arith.constant 192 : index
    %get3A_240 = vector.load %arg3[%get3A_238, %get3A_239] : memref<800x256xf32, #tpu.memory_space<vmem>>, vector<800x32xf32>
    %slice3A_241 = vector.extract_strided_slice %add3A_140 {offsets = [0, 192], sizes = [800, 32], strides = [1, 1]} : vector<800x256xf32> to vector<800x32xf32>
    %get3A_242 = arith.constant 0 : index
    %get3A_243 = arith.constant 0 : index
    %get3A_244 = vector.load %arg7[%get3A_242, %get3A_243] : memref<32x1024xf32, #tpu.memory_space<vmem>>, vector<32x1024xf32>
    %dot_general3A_245 = arith.constant dense<0.000000e+00> : vector<800x1024xf32>
    %dot_general3A_246 = tpu.matmul %get3A_240, %get3A_244, %dot_general3A_245 {dimension_numbers = #tpu.dot_dimension_numbers<[1], [0], [0], [1], [0, 0, 1, 1], [], []>, transpose_lhs_hint = false} : vector<800x32xf32>, vector<32x1024xf32>, vector<800x1024xf32> -> vector<800x1024xf32>
    %get3A_247 = arith.constant 0 : index
    %get3A_248 = arith.constant 0 : index
    %get3A_249 = vector.load %arg8[%get3A_247, %get3A_248] : memref<32x1024xf32, #tpu.memory_space<vmem>>, vector<32x1024xf32>
    %dot_general3A_250 = arith.constant dense<0.000000e+00> : vector<800x1024xf32>
    %dot_general3A_251 = tpu.matmul %slice3A_241, %get3A_249, %dot_general3A_250 {dimension_numbers = #tpu.dot_dimension_numbers<[1], [0], [0], [1], [0, 0, 1, 1], [], []>, transpose_lhs_hint = false} : vector<800x32xf32>, vector<32x1024xf32>, vector<800x1024xf32> -> vector<800x1024xf32>
    %mul3A_252 = arith.mulf %dot_general3A_246, %dot_general3A_251 : vector<800x1024xf32>
    %add3A_253 = arith.addf %add3A_237, %mul3A_252 : vector<800x1024xf32>
    %get3A_254 = arith.constant 0 : index
    %get3A_255 = arith.constant 224 : index
    %get3A_256 = vector.load %arg3[%get3A_254, %get3A_255] : memref<800x256xf32, #tpu.memory_space<vmem>>, vector<800x32xf32>
    %slice3A_257 = vector.extract_strided_slice %add3A_140 {offsets = [0, 224], sizes = [800, 32], strides = [1, 1]} : vector<800x256xf32> to vector<800x32xf32>
    %get3A_258 = arith.constant 0 : index
    %get3A_259 = arith.constant 0 : index
    %get3A_260 = vector.load %arg7[%get3A_258, %get3A_259] : memref<32x1024xf32, #tpu.memory_space<vmem>>, vector<32x1024xf32>
    %dot_general3A_261 = arith.constant dense<0.000000e+00> : vector<800x1024xf32>
    %dot_general3A_262 = tpu.matmul %get3A_256, %get3A_260, %dot_general3A_261 {dimension_numbers = #tpu.dot_dimension_numbers<[1], [0], [0], [1], [0, 0, 1, 1], [], []>, transpose_lhs_hint = false} : vector<800x32xf32>, vector<32x1024xf32>, vector<800x1024xf32> -> vector<800x1024xf32>
    %get3A_263 = arith.constant 0 : index
    %get3A_264 = arith.constant 0 : index
    %get3A_265 = vector.load %arg8[%get3A_263, %get3A_264] : memref<32x1024xf32, #tpu.memory_space<vmem>>, vector<32x1024xf32>
    %dot_general3A_266 = arith.constant dense<0.000000e+00> : vector<800x1024xf32>
    %dot_general3A_267 = tpu.matmul %slice3A_257, %get3A_265, %dot_general3A_266 {dimension_numbers = #tpu.dot_dimension_numbers<[1], [0], [0], [1], [0, 0, 1, 1], [], []>, transpose_lhs_hint = false} : vector<800x32xf32>, vector<32x1024xf32>, vector<800x1024xf32> -> vector<800x1024xf32>
    %mul3A_268 = arith.mulf %dot_general3A_262, %dot_general3A_267 : vector<800x1024xf32>
    %add3A_269 = arith.addf %add3A_253, %mul3A_268 : vector<800x1024xf32>
    %get3A_270 = arith.constant 0 : index
    %get3A_271 = arith.constant 0 : index
    %get3A_272 = vector.load %arg4[%get3A_270, %get3A_271] : memref<1024x32xf32, #tpu.memory_space<vmem>>, vector<1024x32xf32>
    %dot_general3A_273 = arith.constant dense<0.000000e+00> : vector<800x32xf32>
    %dot_general3A_274 = tpu.matmul %add3A_269, %get3A_272, %dot_general3A_273 {dimension_numbers = #tpu.dot_dimension_numbers<[1], [0], [0], [1], [0, 0, 1, 1], [], []>, transpose_lhs_hint = false} : vector<800x1024xf32>, vector<1024x32xf32>, vector<800x32xf32> -> vector<800x32xf32>
    %swap3A = arith.constant 0 : index
    %swap3A_275 = arith.constant 0 : index
    %swap3A_276 = vector.load %arg9[%swap3A, %swap3A_275] : memref<800x32xf32, #tpu.memory_space<vmem>>, vector<800x32xf32>
    tpu.vector_store %arg9[%swap3A, %swap3A_275], %dot_general3A_274 {strides = array<i32>} : memref<800x32xf32, #tpu.memory_space<vmem>>, vector<800x32xf32>,
    return
  }
  func.func @transform_0(%arg0: i32) -> (i32, i32) {
    %c0_i32 = arith.constant 0 : i32
    %c0_i32_0 = arith.constant 0 : i32
    return %arg0, %c0_i32 : i32, i32
  }
  func.func @transform_1(%arg0: i32) -> (i32, i32) {
    %c0_i32 = arith.constant 0 : i32
    %c0_i32_0 = arith.constant 0 : i32
    return %arg0, %c0_i32 : i32, i32
  }
  func.func @transform_2(%arg0: i32) -> (i32, i32) {
    %c0_i32 = arith.constant 0 : i32
    %c0_i32_0 = arith.constant 0 : i32
    return %arg0, %c0_i32 : i32, i32
  }
  func.func @transform_3(%arg0: i32) -> (i32, i32) {
    %c0_i32 = arith.constant 0 : i32
    %c0_i32_0 = arith.constant 0 : i32
    %c0_i32_1 = arith.constant 0 : i32
    return %c0_i32, %c0_i32_0 : i32, i32
  }
  func.func @transform_4(%arg0: i32) -> (i32, i32) {
    %c0_i32 = arith.constant 0 : i32
    %c0_i32_0 = arith.constant 0 : i32
    %c0_i32_1 = arith.constant 0 : i32
    return %c0_i32, %c0_i32_0 : i32, i32
  }
  func.func @transform_5(%arg0: i32) -> (i32, i32) {
    %c0_i32 = arith.constant 0 : i32
    %c0_i32_0 = arith.constant 0 : i32
    %c0_i32_1 = arith.constant 0 : i32
    return %c0_i32, %c0_i32_0 : i32, i32
  }
  func.func @transform_6(%arg0: i32) -> (i32, i32) {
    %c0_i32 = arith.constant 0 : i32
    %c0_i32_0 = arith.constant 0 : i32
    %c0_i32_1 = arith.constant 0 : i32
    return %c0_i32, %c0_i32_0 : i32, i32
  }
  func.func @transform_7(%arg0: i32) -> (i32, i32) {
    %c0_i32 = arith.constant 0 : i32
    %c0_i32_0 = arith.constant 0 : i32
    %c0_i32_1 = arith.constant 0 : i32
    return %c0_i32, %c0_i32_0 : i32, i32
  }
  func.func @transform_8(%arg0: i32) -> (i32, i32) {
    %c0_i32 = arith.constant 0 : i32
    %c0_i32_0 = arith.constant 0 : i32
    return %arg0, %c0_i32 : i32, i32
  }
}

module attributes {stable_mosaic.version = 14 : i64} {
  func.func @_final_body(%arg0: i32, %arg1: memref<1000x32xf32, #tpu.memory_space<vmem>>, %arg2: memref<1000x32xf32, #tpu.memory_space<vmem>>, %arg3: memref<32x256xf32, #tpu.memory_space<vmem>>, %arg4: memref<32x256xf32, #tpu.memory_space<vmem>>, %arg5: memref<1000x256xf32, #tpu.memory_space<vmem>>) attributes {dimension_semantics = [#tpu.dimension_semantics<arbitrary>], iteration_bounds = array<i64: 160>, scalar_prefetch = 0 : i64, scratch_operands = 0 : i64, tpu.core_type = #tpu.core_type<tc>, window_params = [{transform_indices = @transform_0, window_bounds = array<i64: 1000, 32>}, {transform_indices = @transform_1, window_bounds = array<i64: 1000, 32>}, {pipeline_mode = #tpu.pipeline_mode<synchronous>, transform_indices = @transform_2, window_bounds = array<i64: 32, 256>}, {pipeline_mode = #tpu.pipeline_mode<synchronous>, transform_indices = @transform_3, window_bounds = array<i64: 32, 256>}, {transform_indices = @transform_4, window_bounds = array<i64: 1000, 256>}]} {
    %get3A = arith.constant 0 : index
    %get3A_0 = arith.constant 0 : index
    %get3A_1 = vector.load %arg1[%get3A, %get3A_0] : memref<1000x32xf32, #tpu.memory_space<vmem>>, vector<1000x32xf32>
    %get3A_2 = arith.constant 0 : index
    %get3A_3 = arith.constant 0 : index
    %get3A_4 = vector.load %arg3[%get3A_2, %get3A_3] : memref<32x256xf32, #tpu.memory_space<vmem>>, vector<32x256xf32>
    %dot_general3A = arith.constant dense<0.000000e+00> : vector<1000x256xf32>
    %dot_general3A_5 = tpu.matmul %get3A_1, %get3A_4, %dot_general3A {dimension_numbers = #tpu.dot_dimension_numbers<[1], [0], [0], [1], [0, 0, 1, 1], [], []>, transpose_lhs_hint = false} : vector<1000x32xf32>, vector<32x256xf32>, vector<1000x256xf32> -> vector<1000x256xf32>
    %get3A_6 = arith.constant 0 : index
    %get3A_7 = arith.constant 0 : index
    %get3A_8 = vector.load %arg2[%get3A_6, %get3A_7] : memref<1000x32xf32, #tpu.memory_space<vmem>>, vector<1000x32xf32>
    %get3A_9 = arith.constant 0 : index
    %get3A_10 = arith.constant 0 : index
    %get3A_11 = vector.load %arg4[%get3A_9, %get3A_10] : memref<32x256xf32, #tpu.memory_space<vmem>>, vector<32x256xf32>
    %dot_general3A_12 = arith.constant dense<0.000000e+00> : vector<1000x256xf32>
    %dot_general3A_13 = tpu.matmul %get3A_8, %get3A_11, %dot_general3A_12 {dimension_numbers = #tpu.dot_dimension_numbers<[1], [0], [0], [1], [0, 0, 1, 1], [], []>, transpose_lhs_hint = false} : vector<1000x32xf32>, vector<32x256xf32>, vector<1000x256xf32> -> vector<1000x256xf32>
    %add3A = arith.addf %dot_general3A_5, %dot_general3A_13 : vector<1000x256xf32>
    %mul3A = arith.constant 0.707106769 : f32
    %mul3A_14 = vector.broadcast %mul3A : f32 to vector<1000x256xf32>
    %mul3A_15 = arith.mulf %add3A, %mul3A_14 : vector<1000x256xf32>
    %swap3A = arith.constant 0 : index
    %swap3A_16 = arith.constant 0 : index
    %swap3A_17 = vector.load %arg5[%swap3A, %swap3A_16] : memref<1000x256xf32, #tpu.memory_space<vmem>>, vector<1000x256xf32>
    tpu.vector_store %arg5[%swap3A, %swap3A_16], %mul3A_15 {strides = array<i32>} : memref<1000x256xf32, #tpu.memory_space<vmem>>, vector<1000x256xf32>,
    return
  }
  func.func @transform_0(%arg0: i32) -> (i32, i32) {
    %c0_i32 = arith.constant 0 : i32
    %c0_i32_0 = arith.constant 0 : i32
    return %arg0, %c0_i32 : i32, i32
  }
  func.func @transform_1(%arg0: i32) -> (i32, i32) {
    %c0_i32 = arith.constant 0 : i32
    %c0_i32_0 = arith.constant 0 : i32
    return %arg0, %c0_i32 : i32, i32
  }
  func.func @transform_2(%arg0: i32) -> (i32, i32) {
    %c0_i32 = arith.constant 0 : i32
    %c0_i32_0 = arith.constant 0 : i32
    %c0_i32_1 = arith.constant 0 : i32
    return %c0_i32, %c0_i32_0 : i32, i32
  }
  func.func @transform_3(%arg0: i32) -> (i32, i32) {
    %c0_i32 = arith.constant 0 : i32
    %c0_i32_0 = arith.constant 0 : i32
    %c0_i32_1 = arith.constant 0 : i32
    return %c0_i32, %c0_i32_0 : i32, i32
  }
  func.func @transform_4(%arg0: i32) -> (i32, i32) {
    %c0_i32 = arith.constant 0 : i32
    %c0_i32_0 = arith.constant 0 : i32
    return %arg0, %c0_i32 : i32, i32
  }
}

</mosaic_0001>

<sc_bundles>
// kernel: kernel.11.cloned.1.call-start
scs
__scs_entry_jumppad:
0x0: {  	(pc) =	sbr.rel $0x88, $3  }
0x1: {  	(tag) =	ssettag $0x0;
	lr =	simm.s32 $0x1  }
0x2: {  	[smem:$0x3F90] =	sst lr;
	_ =	strace $0xD0000000  }
0x3: {  	_ = 	snop  }
0x4: {  	_ = 	snop  }
0x5: {  	_ = 	snop  }
0x6: {  	_ = 	snop  }
0x7: {  	_ = 	snop  }
__scs_overlays_trampoline_lowered:
0x8: {  	[smem:$0x3F9F] =	sst s0  }
0x9: {  	[smem:$0x3FA0] =	sst s1  }
0xa: {  	[smem:$0x3FA1] =	sst s2  }
0xb: {  	[smem:$0x3FA2] =	sst s3  }
0xc: {  	[smem:$0x3FA3] =	sst s4  }
0xd: {  	[smem:$0x3FA4] =	sst s5  }
0xe: {  	[smem:$0x3FA5] =	sst s6  }
0xf: {  	[smem:$0x3FA6] =	sst s7  }
0x10: {  	[smem:$0x3FA7] =	sst s8  }
0x11: {  	[smem:$0x3FA8] =	sst s9;
	s0 =	simm.s32 @!p0 $0x0  }
0x12: {  	s1 =	sld [smem:$0x3F8E];
	s0 =	simm.s32 @p0 $0x1  }
0x13: {  	[smem:$0x3FA9] =	sst s0;
	s0 =	simm.s32 @!p1 $0x0  }
0x14: {  	s2 =	sld [smem:$0x3F8D];
	s0 =	simm.s32 @p1 $0x1  }
0x15: {  	[smem:$0x3FAA] =	sst s0;
	s0 =	simm.s32 @!p2 $0x0  }
0x16: {  	s3 =	sld [smem:$0x3FDB];
	s0 =	simm.s32 @p2 $0x1  }
0x17: {  	s4 =	simm.s32 $0x1BF5;
	[smem:$0x3FAC] =	sst s0  }
0x18: {  	s0 =	sld [smem:$0x3F8F];
	_ =	swait.ge [sflag:s4], $0x0  }
0x19: {  	s7 =	sld [smem:$0x3F90]  }
0x1a: {  	s8 =	sadd.s32 $0xFFFFE003, lr  }
0x1b: {  	s9 =	sadd.s32 $0xFFFFFEF7, lr;
	s5 =	simm.s32 $0xFFFFFFFF;
	p2 =	slt.u32 s8, $0xFFFFF086  }
0x1c: {  	p1 =	slt.u32 s9, $0xF7A;
	s5 =	simm.s32 @!p2 $0x0  }
0x1d: {  	s5 =	simm.s32 @p1 $0x1;
	p0 =	seq.s32 s7, s2  }
0x1e: {  	s7 =	smul.u32 @!p0 $0xF7A, s2;
	p2 =	seq.s32 @!p0 s5, $0x0  }
0x1f: {  	s9 =	smul.u32 $0xF7A, s1;
	s8 =	simm.s32 @!p0 $0x1BF5;
	p2 =	por !p2, p0  }
0x20: {  	[sflag:s8] =	ssyncset.s32 @!p0 $0xFFFFF086;
	s6 =	sadd.s32 @!p0 s3, s7;
	s7 =	simm.s32 @!p0 $0x108  }
0x21: {  	s3 =	sadd.s32 s3, s9;
	s6 =	sadd.s32 @!p0 $0x88, s6;
	s7 =	simm.s32 @p2 $0x1082  }
0x22: {  	[simem:s7], [sflag:s8] =	dma.local @!p0 [hbm:s6], $0xF7A  }
0x23: {  	s9 =	sor.u32 $0xD0000000, s2;
	s6 =	simm.s32 $0x108;
	_ =	swait.ge @!p0 [sflag:s8], $0x0  }
0x24: {  	s3 =	sadd.s32 $0x88, s3;
	s6 =	simm.s32 @!p1 $0x1082;
	[sflag:s4] =	ssyncset.s32 $0xFFFFF086  }
0x25: {  	[simem:s6], [sflag:s4] =	dma.local [hbm:s3], $0xF7A  }
0x26: {  	[smem:$0x3F90] =	sst s1;
	(tag) =	ssettag s2;
	_ =	strace s9  }
0x27: {  	s1 =	sld [smem:$0x3FA0]  }
0x28: {  	s2 =	sld [smem:$0x3FA1]  }
0x29: {  	s4 =	sld [smem:$0x3FA3]  }
0x2a: {  	p0 =	seq.s32 s5, $0x0;
	s5 =	sld [smem:$0x3FA4]  }
0x2b: {  	s6 =	sld [smem:$0x3FA5]  }
0x2c: {  	s7 =	sld [smem:$0x3FA6]  }
0x2d: {  	s3 =	simm.s32 $0x108;
	s8 =	sld [smem:$0x3FA7]  }
0x2e: {  	s3 =	simm.s32 @!p0 $0x1082;
	s9 =	sld [smem:$0x3FA8]  }
0x2f: {  	lr =	sadd.s32 s0, s3;
	s0 =	sld [smem:$0x3F9F]  }
0x30: {  	s3 =	sld [smem:$0x3FA2]  }
0x31: {  	[smem:$0x3FAB] =	sst s10  }
0x32: {  	s10 =	sld [smem:$0x3FA9];
	_ =	sdelay $0x3  }
0x33: {  	p0 =	seq.s32 s10, $0x1;
	s10 =	sld [smem:$0x3FAB];
	_ =	sdelay $0x3  }
0x34: {  	[smem:$0x3FAB] =	sst s10  }
0x35: {  	s10 =	sld [smem:$0x3FAA];
	_ =	sdelay $0x3  }
0x36: {  	p1 =	seq.s32 s10, $0x1;
	s10 =	sld [smem:$0x3FAB];
	_ =	sdelay $0x3  }
0x37: {  	[smem:$0x3FAB] =	sst s10  }
0x38: {  	s10 =	sld [smem:$0x3FAC]  }
0x39: {  	_ = 	snop;
	(pc) =	sbr.ind lr, $3  }
0x3a: {  	_ = 	snop  }
0x3b: {  	_ = 	snop  }
0x3c: {  	p2 =	seq.s32 s10, $0x1;
	s10 =	sld [smem:$0x3FAB]  }
0x3d: {  	_ =	shalt  }
0x3e: {  	_ =	shalt  }
0x3f: {  	_ =	shalt  }
0x40: {  	_ =	shalt  }
0x41: {  	_ =	shalt  }
0x42: {  	_ =	shalt  }
0x43: {  	_ =	shalt  }
0x44: {  	_ =	shalt  }
0x45: {  	_ =	shalt  }
0x46: {  	_ =	shalt  }
0x47: {  	_ =	shalt  }
0x48: {  	_ =	shalt  }
0x49: {  	_ =	shalt  }
0x4a: {  	_ =	shalt  }
0x4b: {  	_ =	shalt  }
0x4c: {  	_ =	shalt  }
0x4d: {  	_ =	shalt  }
0x4e: {  	_ =	shalt  }
0x4f: {  	_ =	shalt  }
0x50: {  	_ =	shalt  }
0x51: {  	_ =	shalt  }
0x52: {  	_ =	shalt  }
0x53: {  	_ =	shalt  }
0x54: {  	_ =	shalt  }
0x55: {  	_ =	shalt  }
0x56: {  	_ =	shalt  }
0x57: {  	_ =	shalt  }
0x58: {  	_ =	shalt  }
0x59: {  	_ =	shalt  }
0x5a: {  	_ =	shalt  }
0x5b: {  	_ =	shalt  }
0x5c: {  	_ =	shalt  }
0x5d: {  	_ =	shalt  }
0x5e: {  	_ =	shalt  }
0x5f: {  	_ =	shalt  }
0x60: {  	_ =	shalt  }
0x61: {  	_ =	shalt  }
0x62: {  	_ =	shalt  }
0x63: {  	_ =	shalt  }
0x64: {  	_ =	shalt  }
0x65: {  	_ =	shalt  }
0x66: {  	_ =	shalt  }
0x67: {  	_ =	shalt  }
0x68: {  	_ =	shalt  }
0x69: {  	_ =	shalt  }
0x6a: {  	_ =	shalt  }
0x6b: {  	_ =	shalt  }
0x6c: {  	_ =	shalt  }
0x6d: {  	_ =	shalt  }
0x6e: {  	_ =	shalt  }
0x6f: {  	_ =	shalt  }
0x70: {  	_ =	shalt  }
0x71: {  	_ =	shalt  }
0x72: {  	_ =	shalt  }
0x73: {  	_ =	shalt  }
0x74: {  	_ =	shalt  }
0x75: {  	_ =	shalt  }
0x76: {  	_ =	shalt  }
0x77: {  	_ =	shalt  }
0x78: {  	_ =	shalt  }
0x79: {  	_ =	shalt  }
0x7a: {  	_ =	shalt  }
0x7b: {  	_ =	shalt  }
0x7c: {  	_ =	shalt  }
0x7d: {  	_ =	shalt  }
0x7e: {  	_ =	shalt  }
0x7f: {  	_ =	shalt  }
0x80: {  	_ =	shalt  }
0x81: {  	_ =	shalt  }
0x82: {  	_ =	shalt  }
0x83: {  	_ =	shalt  }
0x84: {  	_ =	shalt  }
0x85: {  	_ =	shalt  }
0x86: {  	_ =	shalt  }
0x87: {  	_ =	shalt  }
.Lfunc_end0:
.L_simem_size_0:
called_computation.1_lowered:
.L_overlay_start_0:
0x88: {  	s2 =	sld [smem:$0x3FD9]  }
0x89: {  	s3 =	sld [smem:$0x3FFE];
	_ =	sdelay $0x1  }
0x8a: {  	s1 =	srdreg.scid  }
0x8b: {  	s0 =	sand.u32 $0x1, s1  }
0x8c: {  	s17 =	sshll.u32 s0, $0xA;
	s2 =	sadd.s32 s3, s2  }
0x8d: {  	s2 =	sadd.s32 s2, s17  }
0x8e: {  	[smem:$0x3FB7] =	sst s2  }
0x8f: {  	_ = 	snop  }
0x90: {  	s2 =	sld [smem:$0x3FC0]  }
0x91: {  	s18 =	sld [smem:$0x3FD0];
	(tm) =	ssettm $0x1  }
0x92: {  	s4 =	sld [smem:$0x3FFB];
	_ =	sdelay $0x3  }
0x93: {  	_ =	strace s4  }
0x94: {  	s4 =	sld [smem:$0x3FFC];
	_ =	sdelay $0x3  }
0x95: {  	_ =	strace s4  }
0x96: {  	s4 =	sld [smem:$0x3FFD];
	_ =	sdelay $0x3  }
0x97: {  	_ =	strace s4  }
0x98: {  	_ =	strace $0x8FFFFFFF  }
0x99: {  	s19 =	sld [smem:$0x3FDB];
	_ =	sdelay $0x1  }
0x9a: {  	s5 =	simm.s32 $_scs_section_size  }
0x9b: {  	s6 =	simm.s32 $_size__tile_overlayer_lowered;
	s7 =	simm.s32 $_tile_overlayer_lowered  }
0x9c: {  	s22 =	simm.s32 $0x1BFF;
	s21 =	sshll.u32 s7, $0x1;
	s4 =	sadd.s32 s5, s19  }
0x9d: {  	s8 =	simm.s32 $0x0;
	s20 =	sshll.u32 s6, $0x1;
	s6 =	sadd.s32 s21, s4  }
0x9e: {  	[timem:s8], [sflag:s22] =	dma.local [hbm:s6], s20  }
0x9f: {  	_ =	swait.ge [sflag:s22], s20  }
0xa0: {  	s5 =	ssub.s32 $0x0, s20;
	[sflag:s22] =	ssyncset.done $0x0  }
0xa1: {  	[sflag:s22] =	ssyncadd.s32 s5;
	_ =	sdelay $0x1  }
0xa2: {  	s23 =	simm.s32 $0x1B8B  }
0xa3: {  	_ =	swait.ge [sflag:s23], $0x1  }
0xa4: {  	[sflag:s23] =	ssyncset.done $0x0  }
0xa5: {  	s25 =	simm.s32 $0x1B8E;
	s24 =	sld [smem:$0x3FFE];
	[sflag:s23] =	ssyncadd.s32 $0xFFFFFFFF  }
0xa6: {  	s26 =	simm.s32 $execute0_lowered;
	[smem:$0x3FD2] =	sst s25  }
0xa7: {  	s6 =	sshll.u32 s26, $0x1;
	_ =	strace $0x80000049;
	[dreg:$0x1] =	wrdreg $0xFFFFFFFF  }
0xa8: {  	s28 =	simm.s32 $_size_execute0_lowered;
	s4 =	sadd.s32 s4, s6;
	[dreg:$0x0] =	wrdreg $0x0  }
0xa9: {  	s6 =	sshll.u32 s28, $0x1;
	[dreg:$0x2] =	wrdreg s4  }
0xaa: {  	[dreg:$0x3] =	wrdreg s6  }
0xab: {  	[dreg:$0x4] =	wrdreg $0xC0  }
0xac: {  	_ =	task [dreg:s8], $0x5FFFF  }
0xad: {  	[dreg:$0x1] =	wrdreg $0xFFFFFFFF  }
0xae: {  	[dreg:$0x0] =	wrdreg $0x60  }
0xaf: {  	[dreg:$0x2] =	wrdreg s18  }
0xb0: {  	[dreg:$0x3] =	wrdreg s2  }
0xb1: {  	[dreg:$0x4] =	wrdreg s24  }
0xb2: {  	[dreg:$0x5] =	wrdreg $0x9  }
0xb3: {  	_ =	task.clear_ibuf [dreg:s8], $0x6FFFF;
	_ =	strace $0x90000049  }
0xb4: {  	s29 =	simm.s32 $0x9;
	_ =	strace $0x8000004B  }
0xb5: {  	_ =	swait.ge [sflag:s29], $0x1  }
0xb6: {  	[sflag:s29] =	ssyncadd.s32 $0xFFFFFFFF  }
0xb7: {  	_ =	strace $0x9000004B  }
0xb8: {  	_ =	sfence  }
0xb9: {  	s30 =	sld [smem:$0x0];
	_ =	sdelay $0x2  }
0xba: {  	s31 =	sshll.u32 s1, $0xD;
	s1 =	sshrl.u32 s1, $0x2  }
0xbb: {  	s3 =	sand.u32 $0x4000, s31;
	s1 =	sadd.s32 s1, s30  }
0xbc: {  	s0 =	sor.u32 s3, s0;
	s1 =	sshll.u32 s1, $0x11  }
0xbd: {  	s0 =	sor.u32 s1, s0  }
0xbe: {  	s0 =	sadd.s32 $0x8F2B, s0  }
0xbf: {  	[sflag:s0] =	ssyncadd.remote.s32 $0x1  }
0xc0: {  	_ =	sfence.sel $0xFFFF  }
0xc1: {  	[dreg:$0x0] =	wrdreg $0xFFFFFFFF;
	(pc) =	sbr.abs _section_cstart, $3  }
0xc2: {  	[dreg:$0x1] =	wrdreg $0xFFFFFFFF  }
0xc3: {  	_ =	task.clear_ibuf [dreg:s8], $0x2FFFF;
	_ =	strace $0x9FFFFFFF  }
0xc4: {  	(tm) =	ssettm $0x7FFFFFFF  }
0xc5: {  	_ =	shalt  }
tec
execute0_lowered:
.L_overlay_start_1:
0x0: {  	(tag) =	ssettag $0x1  }
0x1: {  	s1 =	srdreg.scid;
	s0 =	stileid.u32  }
0x2: {  	s2 =	rddreg [dreg:$0x0];
	s16 =	sand.u32 $0x1, s1;
	s26 =	sshll.u32 s0, $0x1  }
0x3: {  	s15 =	rddreg [dreg:$0x1];
	s8 =	sor.u32 s16, s26  }
0x4: {  	s9 =	rddreg [dreg:$0x2];
	s18 =	smul.u32 $0x1388, s8  }
0x5: {  	s3 =	simm.s32 $0x0;
	s1 =	rddreg [dreg:$0x3]  }
0x6: {  	[smem:$0x7FF] =	sst s3;
	s4 =	sshrl.u32 s18, $0x3  }
0x7: {  	_ =	strace $0x8000004A;
	s5 =	sadd.s32 s15, s4;
	s4 =	simm.s32 $0x2  }
0x8: {  	[tilespmem:s3], [sflag:$0x2] =	stream.linear.gather [hbm4b:s5+s3], $0x3E8, $0x38;
	[tilespmem:$0x80E8] =	vst v63  }
0x9: {  	_ =	swait.ge [sflag:s4], $0x3E8  }
0xa: {  	[sflag:s4] =	ssyncset.done $0x0  }
0xb: {  	s6 =	simm.s32 $0x3E8;
	s7 =	simm.s32 $0x1;
	[sflag:s4] =	ssyncadd.s32 $0xFFFFFC18  }
0xc: {  	[tilespmem:s6], [sflag:$0x1] =	stream.indirect.gather [hbm4b:s2+s6], $0x20, s3, s6, $0xb8;
	[tilespmem:$0x80E8] =	vst v63  }
0xd: {  	s8 =	smul.u32 $0x4E20, s8;
	_ =	swait.ge [sflag:s7], $0x7D00  }
0xe: {  	s17 =	sadd.s32 $0x273200, s9;
	[sflag:s7] =	ssyncset.done $0x0  }
0xf: {  	s8 =	sadd.s32 s17, s8;
	[sflag:s7] =	ssyncadd.s32 $0xFFFF8300  }
0x10: {  	[hbm4b:s8+s3] =	stream.linear.scatter [tilespmem:s6], [sflag:$0x2], $0x7D00, $0x38;
	[tilespmem:$0x80E8] =	vst v63  }
0x11: {  	s10 =	sadd.s32 $0x3E8, s18;
	_ =	swait.ge [sflag:s4], $0x7D00  }
0x12: {  	s28 =	sshrl.u32 s10, $0x3;
	[sflag:s4] =	ssyncset.done $0x0  }
0x13: {  	s9 =	sadd.s32 s15, s28;
	[sflag:s4] =	ssyncadd.s32 $0xFFFF8300  }
0x14: {  	[tilespmem:s3], [sflag:$0x2] =	stream.linear.gather [hbm4b:s9+s3], $0x3E8, $0x38;
	[tilespmem:$0x80E8] =	vst v63  }
0x15: {  	_ =	swait.ge [sflag:s4], $0x3E8  }
0x16: {  	[sflag:s4] =	ssyncset.done $0x0  }
0x17: {  	[sflag:s4] =	ssyncadd.s32 $0xFFFFFC18  }
0x18: {  	[tilespmem:s6], [sflag:$0x1] =	stream.indirect.gather [hbm4b:s2+s6], $0x20, s3, s6, $0xb8;
	[tilespmem:$0x80E8] =	vst v63  }
0x19: {  	_ =	swait.ge [sflag:s7], $0x7D00  }
0x1a: {  	s10 =	sshll.u32 s10, $0x2;
	[sflag:s7] =	ssyncset.done $0x0  }
0x1b: {  	s10 =	sadd.s32 s17, s10;
	[sflag:s7] =	ssyncadd.s32 $0xFFFF8300  }
0x1c: {  	[hbm4b:s10+s3] =	stream.linear.scatter [tilespmem:s6], [sflag:$0x2], $0x7D00, $0x38;
	[tilespmem:$0x80E8] =	vst v63  }
0x1d: {  	s12 =	sadd.s32 $0x7D0, s18;
	_ =	swait.ge [sflag:s4], $0x7D00  }
0x1e: {  	s11 =	sshrl.u32 s12, $0x3;
	[sflag:s4] =	ssyncset.done $0x0  }
0x1f: {  	s11 =	sadd.s32 s15, s11;
	[sflag:s4] =	ssyncadd.s32 $0xFFFF8300  }
0x20: {  	[tilespmem:s3], [sflag:$0x2] =	stream.linear.gather [hbm4b:s11+s3], $0x3E8, $0x38;
	[tilespmem:$0x80E8] =	vst v63  }
0x21: {  	_ =	swait.ge [sflag:s4], $0x3E8  }
0x22: {  	[sflag:s4] =	ssyncset.done $0x0  }
0x23: {  	[sflag:s4] =	ssyncadd.s32 $0xFFFFFC18  }
0x24: {  	[tilespmem:s6], [sflag:$0x1] =	stream.indirect.gather [hbm4b:s2+s6], $0x20, s3, s6, $0xb8;
	[tilespmem:$0x80E8] =	vst v63  }
0x25: {  	_ =	swait.ge [sflag:s7], $0x7D00  }
0x26: {  	s12 =	sshll.u32 s12, $0x2;
	[sflag:s7] =	ssyncset.done $0x0  }
0x27: {  	s12 =	sadd.s32 s17, s12;
	[sflag:s7] =	ssyncadd.s32 $0xFFFF8300  }
0x28: {  	[hbm4b:s12+s3] =	stream.linear.scatter [tilespmem:s6], [sflag:$0x2], $0x7D00, $0x38;
	[tilespmem:$0x80E8] =	vst v63  }
0x29: {  	s14 =	sadd.s32 $0xBB8, s18;
	_ =	swait.ge [sflag:s4], $0x7D00  }
0x2a: {  	s13 =	sshrl.u32 s14, $0x3;
	[sflag:s4] =	ssyncset.done $0x0  }
0x2b: {  	s13 =	sadd.s32 s15, s13;
	[sflag:s4] =	ssyncadd.s32 $0xFFFF8300  }
0x2c: {  	[tilespmem:s3], [sflag:$0x2] =	stream.linear.gather [hbm4b:s13+s3], $0x3E8, $0x38;
	[tilespmem:$0x80E8] =	vst v63  }
0x2d: {  	_ =	swait.ge [sflag:s4], $0x3E8  }
0x2e: {  	[sflag:s4] =	ssyncset.done $0x0  }
0x2f: {  	[sflag:s4] =	ssyncadd.s32 $0xFFFFFC18  }
0x30: {  	[tilespmem:s6], [sflag:$0x1] =	stream.indirect.gather [hbm4b:s2+s6], $0x20, s3, s6, $0xb8;
	[tilespmem:$0x80E8] =	vst v63  }
0x31: {  	_ =	swait.ge [sflag:s7], $0x7D00  }
0x32: {  	s14 =	sshll.u32 s14, $0x2;
	[sflag:s7] =	ssyncset.done $0x0  }
0x33: {  	s14 =	sadd.s32 s17, s14;
	[sflag:s7] =	ssyncadd.s32 $0xFFFF8300  }
0x34: {  	[hbm4b:s14+s3] =	stream.linear.scatter [tilespmem:s6], [sflag:$0x2], $0x7D00, $0x38;
	[tilespmem:$0x80E8] =	vst v63  }
0x35: {  	s18 =	sadd.s32 $0xFA0, s18;
	_ =	swait.ge [sflag:s4], $0x7D00  }
0x36: {  	s19 =	sshrl.u32 s18, $0x3;
	[sflag:s4] =	ssyncset.done $0x0  }
0x37: {  	s16 =	ssub.s32 $0x2, s16;
	s15 =	sadd.s32 s15, s19;
	[sflag:s4] =	ssyncadd.s32 $0xFFFF8300  }
0x38: {  	[tilespmem:s3], [sflag:$0x2] =	stream.linear.gather [hbm4b:s15+s3], $0x3E8, $0x38;
	[tilespmem:$0x80E8] =	vst v63  }
0x39: {  	s29 =	sshrl.u32 s16, $0x1;
	_ =	swait.ge [sflag:s4], $0x3E8  }
0x3a: {  	s19 =	ssub.s32 s16, s29;
	[sflag:s4] =	ssyncset.done $0x0  }
0x3b: {  	s31 =	smax.u32 s19, $0x1;
	[sflag:s4] =	ssyncadd.s32 $0xFFFFFC18  }
0x3c: {  	[tilespmem:s6], [sflag:$0x1] =	stream.indirect.gather [hbm4b:s2+s6], $0x20, s3, s6, $0xb8;
	[tilespmem:$0x80E8] =	vst v63  }
0x3d: {  	p0 =	sne.s32 s31, $0x1;
	_ =	swait.ge [sflag:s7], $0x7D00  }
.Ltmp0:
0x3e: {  	s30 =	sshll.u32 s18, $0x2;
	[sflag:s7] =	ssyncset.done $0x0;
	(pc) =	sbr.rel @!p0 .LBB2_2-.Ltmp0, $4  }
0x3f: {  	s16 =	sadd.s32 s17, s30;
	[sflag:s7] =	ssyncadd.s32 $0xFFFF8300  }
0x40: {  	[hbm4b:s16+s3] =	stream.linear.scatter [tilespmem:s6], [sflag:$0x2], $0x7D00, $0x38;
	[tilespmem:$0x80E8] =	vst v63  }
0x41: {  	_ =	swait.ge [sflag:s4], $0x7D00  }
0x42: {  	s17 =	sadd.s32 $0xFFFFFFFF, s31;
	[sflag:s4] =	ssyncset.done $0x0  }
.LBB2_1:
0x43: {  	p0 =	sne.s32 s17, $0x1;
	s17 =	sadd.s32 $0xFFFFFFFF, s17;
	[sflag:s4] =	ssyncadd.s32 $0xFFFF8300  }
0x44: {  	[tilespmem:s3], [sflag:$0x2] =	stream.linear.gather [hbm4b:s5+s3], $0x3E8, $0x38;
	[tilespmem:$0x80E8] =	vst v63  }
0x45: {  	_ =	swait.ge [sflag:s4], $0x3E8  }
0x46: {  	[sflag:s4] =	ssyncset.done $0x0  }
0x47: {  	[sflag:s4] =	ssyncadd.s32 $0xFFFFFC18  }
0x48: {  	[tilespmem:s6], [sflag:$0x1] =	stream.indirect.gather [hbm4b:s2+s6], $0x20, s3, s6, $0xb8;
	[tilespmem:$0x80E8] =	vst v63  }
0x49: {  	_ =	swait.ge [sflag:s7], $0x7D00  }
0x4a: {  	[sflag:s7] =	ssyncset.done $0x0  }
0x4b: {  	[sflag:s7] =	ssyncadd.s32 $0xFFFF8300  }
0x4c: {  	[hbm4b:s8+s3] =	stream.linear.scatter [tilespmem:s6], [sflag:$0x2], $0x7D00, $0x38;
	[tilespmem:$0x80E8] =	vst v63  }
0x4d: {  	_ =	swait.ge [sflag:s4], $0x7D00  }
0x4e: {  	[sflag:s4] =	ssyncset.done $0x0  }
0x4f: {  	[sflag:s4] =	ssyncadd.s32 $0xFFFF8300  }
0x50: {  	[tilespmem:s3], [sflag:$0x2] =	stream.linear.gather [hbm4b:s9+s3], $0x3E8, $0x38;
	[tilespmem:$0x80E8] =	vst v63  }
0x51: {  	_ =	swait.ge [sflag:s4], $0x3E8  }
0x52: {  	[sflag:s4] =	ssyncset.done $0x0  }
0x53: {  	[sflag:s4] =	ssyncadd.s32 $0xFFFFFC18  }
0x54: {  	[tilespmem:s6], [sflag:$0x1] =	stream.indirect.gather [hbm4b:s2+s6], $0x20, s3, s6, $0xb8;
	[tilespmem:$0x80E8] =	vst v63  }
0x55: {  	_ =	swait.ge [sflag:s7], $0x7D00  }
0x56: {  	[sflag:s7] =	ssyncset.done $0x0  }
0x57: {  	[sflag:s7] =	ssyncadd.s32 $0xFFFF8300  }
0x58: {  	[hbm4b:s10+s3] =	stream.linear.scatter [tilespmem:s6], [sflag:$0x2], $0x7D00, $0x38;
	[tilespmem:$0x80E8] =	vst v63  }
0x59: {  	_ =	swait.ge [sflag:s4], $0x7D00  }
0x5a: {  	[sflag:s4] =	ssyncset.done $0x0  }
0x5b: {  	[sflag:s4] =	ssyncadd.s32 $0xFFFF8300  }
0x5c: {  	[tilespmem:s3], [sflag:$0x2] =	stream.linear.gather [hbm4b:s11+s3], $0x3E8, $0x38;
	[tilespmem:$0x80E8] =	vst v63  }
0x5d: {  	_ =	swait.ge [sflag:s4], $0x3E8  }
0x5e: {  	[sflag:s4] =	ssyncset.done $0x0  }
0x5f: {  	[sflag:s4] =	ssyncadd.s32 $0xFFFFFC18  }
0x60: {  	[tilespmem:s6], [sflag:$0x1] =	stream.indirect.gather [hbm4b:s2+s6], $0x20, s3, s6, $0xb8;
	[tilespmem:$0x80E8] =	vst v63  }
0x61: {  	_ =	swait.ge [sflag:s7], $0x7D00  }
0x62: {  	[sflag:s7] =	ssyncset.done $0x0  }
0x63: {  	[sflag:s7] =	ssyncadd.s32 $0xFFFF8300  }
0x64: {  	[hbm4b:s12+s3] =	stream.linear.scatter [tilespmem:s6], [sflag:$0x2], $0x7D00, $0x38;
	[tilespmem:$0x80E8] =	vst v63  }
0x65: {  	_ =	swait.ge [sflag:s4], $0x7D00  }
0x66: {  	[sflag:s4] =	ssyncset.done $0x0  }
0x67: {  	[sflag:s4] =	ssyncadd.s32 $0xFFFF8300  }
0x68: {  	[tilespmem:s3], [sflag:$0x2] =	stream.linear.gather [hbm4b:s13+s3], $0x3E8, $0x38;
	[tilespmem:$0x80E8] =	vst v63  }
0x69: {  	_ =	swait.ge [sflag:s4], $0x3E8  }
0x6a: {  	[sflag:s4] =	ssyncset.done $0x0  }
0x6b: {  	[sflag:s4] =	ssyncadd.s32 $0xFFFFFC18  }
0x6c: {  	[tilespmem:s6], [sflag:$0x1] =	stream.indirect.gather [hbm4b:s2+s6], $0x20, s3, s6, $0xb8;
	[tilespmem:$0x80E8] =	vst v63  }
0x6d: {  	_ =	swait.ge [sflag:s7], $0x7D00  }
0x6e: {  	[sflag:s7] =	ssyncset.done $0x0  }
0x6f: {  	[sflag:s7] =	ssyncadd.s32 $0xFFFF8300  }
0x70: {  	[hbm4b:s14+s3] =	stream.linear.scatter [tilespmem:s6], [sflag:$0x2], $0x7D00, $0x38;
	[tilespmem:$0x80E8] =	vst v63  }
0x71: {  	_ =	swait.ge [sflag:s4], $0x7D00  }
0x72: {  	[sflag:s4] =	ssyncset.done $0x0  }
0x73: {  	[sflag:s4] =	ssyncadd.s32 $0xFFFF8300  }
0x74: {  	[tilespmem:s3], [sflag:$0x2] =	stream.linear.gather [hbm4b:s15+s3], $0x3E8, $0x38;
	[tilespmem:$0x80E8] =	vst v63  }
0x75: {  	_ =	swait.ge [sflag:s4], $0x3E8  }
0x76: {  	[sflag:s4] =	ssyncset.done $0x0  }
0x77: {  	[sflag:s4] =	ssyncadd.s32 $0xFFFFFC18  }
0x78: {  	[tilespmem:s6], [sflag:$0x1] =	stream.indirect.gather [hbm4b:s2+s6], $0x20, s3, s6, $0xb8;
	[tilespmem:$0x80E8] =	vst v63  }
0x79: {  	_ =	swait.ge [sflag:s7], $0x7D00  }
.Ltmp1:
0x7a: {  	[sflag:s7] =	ssyncset.done $0x0;
	(pc) =	sbr.rel @p0 .LBB2_1-.Ltmp1, $4  }
0x7b: {  	[sflag:s7] =	ssyncadd.s32 $0xFFFF8300  }
0x7c: {  	[hbm4b:s16+s3] =	stream.linear.scatter [tilespmem:s6], [sflag:$0x2], $0x7D00, $0x38;
	[tilespmem:$0x80E8] =	vst v63  }
0x7d: {  	_ =	swait.ge [sflag:s4], $0x7D00  }
0x7e: {  	[sflag:s4] =	ssyncset.done $0x0  }
.LBB2_2:
0x7f: {  	[sflag:s4] =	ssyncadd.s32 $0xFFFF8300  }
0x80: {  	_ =	sfence.sel $0x180000  }
0x81: {  	[bflag:$0x0] =	sbarrier.arrive $0xFFFF  }
0x82: {  	p0 =	sne.s32 s0, $0x0;
	_ =	strace $0x9000004A  }
0x83: {  	s0 =	sadd.s32 @!p0 $0x100000, s1;
	[bflag:$0x2] =	sbarrier.arrive $0xFFFF  }
0x84: {  	[sflag:s0] =	ssyncadd.tile.s32 @!p0 $0x1;
	_ =	shalt  }
.Lfunc_end2:
_tile_overlayer_lowered:
.L_overlay_start_2:
0x85: {  	(tag) =	ssettag $0x2  }
0x86: {  	s0 =	rddreg [dreg:$0x0];
	s2 =	stileid.u32  }
0x87: {  	s1 =	rddreg [dreg:$0x1];
	p0 =	sne.s32 s2, $0x0  }
0x88: {  	s3 =	rddreg [dreg:$0x2];
	[bflag:$0x3] =	sbarrier.arrive $0xFFFF;
	s2 =	simm.s32 @!p0 $0x1C02  }
0x89: {  	[timem:s3], [sflag:s2] =	dma.local @!p0 [hbm:s0], s1  }
0x8a: {  	s0 =	simm.s32 @!p0 $0x2  }
0x8b: {  	_ =	swait.ge @!p0 [sflag:s0], s1  }
0x8c: {  	s1 =	ssub.s32 @!p0 $0x0, s1;
	[sflag:s0] =	ssyncset.done @!p0 $0x0  }
0x8d: {  	[sflag:s0] =	ssyncadd.s32 @!p0 s1  }
0x8e: {  	[bflag:$0x3] =	sbarrier.arrive $0xFFFF  }
0x8f: {  	_ =	shalt  }

// kernel: kernel.8.cloned.1.call-start
scs
__scs_entry_jumppad:
0x0: {  	(pc) =	sbr.rel $0x88, $3  }
0x1: {  	(tag) =	ssettag $0x0;
	lr =	simm.s32 $0x1  }
0x2: {  	[smem:$0x3F90] =	sst lr;
	_ =	strace $0xD0000000  }
0x3: {  	_ = 	snop  }
0x4: {  	_ = 	snop  }
0x5: {  	_ = 	snop  }
0x6: {  	_ = 	snop  }
0x7: {  	_ = 	snop  }
__scs_overlays_trampoline_lowered:
0x8: {  	[smem:$0x3F9F] =	sst s0  }
0x9: {  	[smem:$0x3FA0] =	sst s1  }
0xa: {  	[smem:$0x3FA1] =	sst s2  }
0xb: {  	[smem:$0x3FA2] =	sst s3  }
0xc: {  	[smem:$0x3FA3] =	sst s4  }
0xd: {  	[smem:$0x3FA4] =	sst s5  }
0xe: {  	[smem:$0x3FA5] =	sst s6  }
0xf: {  	[smem:$0x3FA6] =	sst s7  }
0x10: {  	[smem:$0x3FA7] =	sst s8  }
0x11: {  	[smem:$0x3FA8] =	sst s9;
	s0 =	simm.s32 @!p0 $0x0  }
0x12: {  	s1 =	sld [smem:$0x3F8E];
	s0 =	simm.s32 @p0 $0x1  }
0x13: {  	[smem:$0x3FA9] =	sst s0;
	s0 =	simm.s32 @!p1 $0x0  }
0x14: {  	s2 =	sld [smem:$0x3F8D];
	s0 =	simm.s32 @p1 $0x1  }
0x15: {  	[smem:$0x3FAA] =	sst s0;
	s0 =	simm.s32 @!p2 $0x0  }
0x16: {  	s3 =	sld [smem:$0x3FDB];
	s0 =	simm.s32 @p2 $0x1  }
0x17: {  	s4 =	simm.s32 $0x1BF5;
	[smem:$0x3FAC] =	sst s0  }
0x18: {  	s0 =	sld [smem:$0x3F8F];
	_ =	swait.ge [sflag:s4], $0x0  }
0x19: {  	s7 =	sld [smem:$0x3F90]  }
0x1a: {  	s8 =	sadd.s32 $0xFFFFE003, lr  }
0x1b: {  	s9 =	sadd.s32 $0xFFFFFEF7, lr;
	s5 =	simm.s32 $0xFFFFFFFF;
	p2 =	slt.u32 s8, $0xFFFFF086  }
0x1c: {  	p1 =	slt.u32 s9, $0xF7A;
	s5 =	simm.s32 @!p2 $0x0  }
0x1d: {  	s5 =	simm.s32 @p1 $0x1;
	p0 =	seq.s32 s7, s2  }
0x1e: {  	s7 =	smul.u32 @!p0 $0xF7A, s2;
	p2 =	seq.s32 @!p0 s5, $0x0  }
0x1f: {  	s9 =	smul.u32 $0xF7A, s1;
	s8 =	simm.s32 @!p0 $0x1BF5;
	p2 =	por !p2, p0  }
0x20: {  	[sflag:s8] =	ssyncset.s32 @!p0 $0xFFFFF086;
	s6 =	sadd.s32 @!p0 s3, s7;
	s7 =	simm.s32 @!p0 $0x108  }
0x21: {  	s3 =	sadd.s32 s3, s9;
	s6 =	sadd.s32 @!p0 $0x88, s6;
	s7 =	simm.s32 @p2 $0x1082  }
0x22: {  	[simem:s7], [sflag:s8] =	dma.local @!p0 [hbm:s6], $0xF7A  }
0x23: {  	s9 =	sor.u32 $0xD0000000, s2;
	s6 =	simm.s32 $0x108;
	_ =	swait.ge @!p0 [sflag:s8], $0x0  }
0x24: {  	s3 =	sadd.s32 $0x88, s3;
	s6 =	simm.s32 @!p1 $0x1082;
	[sflag:s4] =	ssyncset.s32 $0xFFFFF086  }
0x25: {  	[simem:s6], [sflag:s4] =	dma.local [hbm:s3], $0xF7A  }
0x26: {  	[smem:$0x3F90] =	sst s1;
	(tag) =	ssettag s2;
	_ =	strace s9  }
0x27: {  	s1 =	sld [smem:$0x3FA0]  }
0x28: {  	s2 =	sld [smem:$0x3FA1]  }
0x29: {  	s4 =	sld [smem:$0x3FA3]  }
0x2a: {  	p0 =	seq.s32 s5, $0x0;
	s5 =	sld [smem:$0x3FA4]  }
0x2b: {  	s6 =	sld [smem:$0x3FA5]  }
0x2c: {  	s7 =	sld [smem:$0x3FA6]  }
0x2d: {  	s3 =	simm.s32 $0x108;
	s8 =	sld [smem:$0x3FA7]  }
0x2e: {  	s3 =	simm.s32 @!p0 $0x1082;
	s9 =	sld [smem:$0x3FA8]  }
0x2f: {  	lr =	sadd.s32 s0, s3;
	s0 =	sld [smem:$0x3F9F]  }
0x30: {  	s3 =	sld [smem:$0x3FA2]  }
0x31: {  	[smem:$0x3FAB] =	sst s10  }
0x32: {  	s10 =	sld [smem:$0x3FA9];
	_ =	sdelay $0x3  }
0x33: {  	p0 =	seq.s32 s10, $0x1;
	s10 =	sld [smem:$0x3FAB];
	_ =	sdelay $0x3  }
0x34: {  	[smem:$0x3FAB] =	sst s10  }
0x35: {  	s10 =	sld [smem:$0x3FAA];
	_ =	sdelay $0x3  }
0x36: {  	p1 =	seq.s32 s10, $0x1;
	s10 =	sld [smem:$0x3FAB];
	_ =	sdelay $0x3  }
0x37: {  	[smem:$0x3FAB] =	sst s10  }
0x38: {  	s10 =	sld [smem:$0x3FAC]  }
0x39: {  	_ = 	snop;
	(pc) =	sbr.ind lr, $3  }
0x3a: {  	_ = 	snop  }
0x3b: {  	_ = 	snop  }
0x3c: {  	p2 =	seq.s32 s10, $0x1;
	s10 =	sld [smem:$0x3FAB]  }
0x3d: {  	_ =	shalt  }
0x3e: {  	_ =	shalt  }
0x3f: {  	_ =	shalt  }
0x40: {  	_ =	shalt  }
0x41: {  	_ =	shalt  }
0x42: {  	_ =	shalt  }
0x43: {  	_ =	shalt  }
0x44: {  	_ =	shalt  }
0x45: {  	_ =	shalt  }
0x46: {  	_ =	shalt  }
0x47: {  	_ =	shalt  }
0x48: {  	_ =	shalt  }
0x49: {  	_ =	shalt  }
0x4a: {  	_ =	shalt  }
0x4b: {  	_ =	shalt  }
0x4c: {  	_ =	shalt  }
0x4d: {  	_ =	shalt  }
0x4e: {  	_ =	shalt  }
0x4f: {  	_ =	shalt  }
0x50: {  	_ =	shalt  }
0x51: {  	_ =	shalt  }
0x52: {  	_ =	shalt  }
0x53: {  	_ =	shalt  }
0x54: {  	_ =	shalt  }
0x55: {  	_ =	shalt  }
0x56: {  	_ =	shalt  }
0x57: {  	_ =	shalt  }
0x58: {  	_ =	shalt  }
0x59: {  	_ =	shalt  }
0x5a: {  	_ =	shalt  }
0x5b: {  	_ =	shalt  }
0x5c: {  	_ =	shalt  }
0x5d: {  	_ =	shalt  }
0x5e: {  	_ =	shalt  }
0x5f: {  	_ =	shalt  }
0x60: {  	_ =	shalt  }
0x61: {  	_ =	shalt  }
0x62: {  	_ =	shalt  }
0x63: {  	_ =	shalt  }
0x64: {  	_ =	shalt  }
0x65: {  	_ =	shalt  }
0x66: {  	_ =	shalt  }
0x67: {  	_ =	shalt  }
0x68: {  	_ =	shalt  }
0x69: {  	_ =	shalt  }
0x6a: {  	_ =	shalt  }
0x6b: {  	_ =	shalt  }
0x6c: {  	_ =	shalt  }
0x6d: {  	_ =	shalt  }
0x6e: {  	_ =	shalt  }
0x6f: {  	_ =	shalt  }
0x70: {  	_ =	shalt  }
0x71: {  	_ =	shalt  }
0x72: {  	_ =	shalt  }
0x73: {  	_ =	shalt  }
0x74: {  	_ =	shalt  }
0x75: {  	_ =	shalt  }
0x76: {  	_ =	shalt  }
0x77: {  	_ =	shalt  }
0x78: {  	_ =	shalt  }
0x79: {  	_ =	shalt  }
0x7a: {  	_ =	shalt  }
0x7b: {  	_ =	shalt  }
0x7c: {  	_ =	shalt  }
0x7d: {  	_ =	shalt  }
0x7e: {  	_ =	shalt  }
0x7f: {  	_ =	shalt  }
0x80: {  	_ =	shalt  }
0x81: {  	_ =	shalt  }
0x82: {  	_ =	shalt  }
0x83: {  	_ =	shalt  }
0x84: {  	_ =	shalt  }
0x85: {  	_ =	shalt  }
0x86: {  	_ =	shalt  }
0x87: {  	_ =	shalt  }
.Lfunc_end0:
.L_simem_size_0:
called_computation_lowered:
.L_overlay_start_0:
0x88: {  	s2 =	sld [smem:$0x3FD9]  }
0x89: {  	s3 =	sld [smem:$0x3FFE];
	_ =	sdelay $0x1  }
0x8a: {  	s1 =	srdreg.scid  }
0x8b: {  	s0 =	sand.u32 $0x1, s1  }
0x8c: {  	s17 =	sshll.u32 s0, $0xA;
	s2 =	sadd.s32 s3, s2  }
0x8d: {  	s2 =	sadd.s32 s2, s17  }
0x8e: {  	[smem:$0x3FB7] =	sst s2  }
0x8f: {  	_ = 	snop  }
0x90: {  	s2 =	sld [smem:$0x3FC2]  }
0x91: {  	s18 =	sld [smem:$0x3FC1];
	(tm) =	ssettm $0x1  }
0x92: {  	s4 =	sld [smem:$0x3FFB];
	_ =	sdelay $0x3  }
0x93: {  	_ =	strace s4  }
0x94: {  	s4 =	sld [smem:$0x3FFC];
	_ =	sdelay $0x3  }
0x95: {  	_ =	strace s4  }
0x96: {  	s4 =	sld [smem:$0x3FFD];
	_ =	sdelay $0x3  }
0x97: {  	_ =	strace s4  }
0x98: {  	_ =	strace $0x8FFFFFFF  }
0x99: {  	s19 =	sld [smem:$0x3FDB];
	_ =	sdelay $0x1  }
0x9a: {  	s5 =	simm.s32 $_scs_section_size  }
0x9b: {  	s6 =	simm.s32 $_size__tile_overlayer_lowered;
	s7 =	simm.s32 $_tile_overlayer_lowered  }
0x9c: {  	s22 =	simm.s32 $0x1BFF;
	s21 =	sshll.u32 s7, $0x1;
	s4 =	sadd.s32 s5, s19  }
0x9d: {  	s8 =	simm.s32 $0x0;
	s20 =	sshll.u32 s6, $0x1;
	s6 =	sadd.s32 s21, s4  }
0x9e: {  	[timem:s8], [sflag:s22] =	dma.local [hbm:s6], s20  }
0x9f: {  	_ =	swait.ge [sflag:s22], s20  }
0xa0: {  	s5 =	ssub.s32 $0x0, s20;
	[sflag:s22] =	ssyncset.done $0x0  }
0xa1: {  	[sflag:s22] =	ssyncadd.s32 s5;
	_ =	sdelay $0x1  }
0xa2: {  	s23 =	simm.s32 $0x1B8B  }
0xa3: {  	_ =	swait.ge [sflag:s23], $0x1  }
0xa4: {  	[sflag:s23] =	ssyncset.done $0x0  }
0xa5: {  	s25 =	simm.s32 $0x1B8E;
	s24 =	sld [smem:$0x3FFE];
	[sflag:s23] =	ssyncadd.s32 $0xFFFFFFFF  }
0xa6: {  	s26 =	simm.s32 $execute0_lowered;
	[smem:$0x3FD2] =	sst s25  }
0xa7: {  	s6 =	sshll.u32 s26, $0x1;
	_ =	strace $0x80000046;
	[dreg:$0x1] =	wrdreg $0xFFFFFFFF  }
0xa8: {  	s28 =	simm.s32 $_size_execute0_lowered;
	s4 =	sadd.s32 s4, s6;
	[dreg:$0x0] =	wrdreg $0x0  }
0xa9: {  	s6 =	sshll.u32 s28, $0x1;
	[dreg:$0x2] =	wrdreg s4  }
0xaa: {  	[dreg:$0x3] =	wrdreg s6  }
0xab: {  	[dreg:$0x4] =	wrdreg $0xC0  }
0xac: {  	_ =	task [dreg:s8], $0x5FFFF  }
0xad: {  	[dreg:$0x1] =	wrdreg $0xFFFFFFFF  }
0xae: {  	[dreg:$0x0] =	wrdreg $0x60  }
0xaf: {  	[dreg:$0x2] =	wrdreg s2  }
0xb0: {  	[dreg:$0x3] =	wrdreg s18  }
0xb1: {  	[dreg:$0x4] =	wrdreg s24  }
0xb2: {  	[dreg:$0x5] =	wrdreg $0x9  }
0xb3: {  	_ =	task.clear_ibuf [dreg:s8], $0x6FFFF;
	_ =	strace $0x90000046  }
0xb4: {  	s29 =	simm.s32 $0x9;
	_ =	strace $0x80000048  }
0xb5: {  	_ =	swait.ge [sflag:s29], $0x1  }
0xb6: {  	[sflag:s29] =	ssyncadd.s32 $0xFFFFFFFF  }
0xb7: {  	_ =	strace $0x90000048  }
0xb8: {  	_ =	sfence  }
0xb9: {  	s30 =	sld [smem:$0x0];
	_ =	sdelay $0x2  }
0xba: {  	s31 =	sshll.u32 s1, $0xD;
	s1 =	sshrl.u32 s1, $0x2  }
0xbb: {  	s3 =	sand.u32 $0x4000, s31;
	s1 =	sadd.s32 s1, s30  }
0xbc: {  	s0 =	sor.u32 s3, s0;
	s1 =	sshll.u32 s1, $0x11  }
0xbd: {  	s0 =	sor.u32 s1, s0  }
0xbe: {  	s0 =	sadd.s32 $0x8F2B, s0  }
0xbf: {  	[sflag:s0] =	ssyncadd.remote.s32 $0x1  }
0xc0: {  	_ =	sfence.sel $0xFFFF  }
0xc1: {  	[dreg:$0x0] =	wrdreg $0xFFFFFFFF;
	(pc) =	sbr.abs _section_cstart, $3  }
0xc2: {  	[dreg:$0x1] =	wrdreg $0xFFFFFFFF  }
0xc3: {  	_ =	task.clear_ibuf [dreg:s8], $0x2FFFF;
	_ =	strace $0x9FFFFFFF  }
0xc4: {  	(tm) =	ssettm $0x7FFFFFFF  }
0xc5: {  	_ =	shalt  }
tec
execute0_lowered:
.L_overlay_start_1:
0x0: {  	(tag) =	ssettag $0x1  }
0x1: {  	s1 =	rddreg [dreg:$0x0]  }
0x2: {  	s2 =	rddreg [dreg:$0x1]  }
0x3: {  	s9 =	rddreg [dreg:$0x2]  }
0x4: {  	s3 =	simm.s32 $0x0;
	s4 =	srdreg.scid;
	s14 =	simm.s32 $0xDAC0  }
0x5: {  	s15 =	simm.s32 $0x190;
	s16 =	simm.s32 $0x11940;
	s17 =	simm.s32 $0x11AD0  }
0x6: {  	s18 =	simm.s32 $0x1;
	s10 =	sand.u32 $0x1, s4;
	s4 =	stileid.u32  }
0x7: {  	s19 =	simm.s32 $0x11C60;
	s20 =	simm.s32 $0x11DF0;
	s13 =	sshll.u32 s4, $0x1  }
0x8: {  	s21 =	simm.s32 $0x14FF0;
	s11 =	ssub.s32 $0x2, s10;
	s10 =	sor.u32 s10, s13  }
0x9: {  	s22 =	simm.s32 $0x181F0;
	[smem:$0x7FF] =	sst s3;
	s10 =	smul.u32 $0x9C40, s10  }
0xa: {  	s23 =	simm.s32 $0x0;
	s5 =	sadd.s32 $0x327E00, s9;
	s6 =	sadd.s32 $0x314200, s9  }
0xb: {  	s7 =	sadd.s32 $0x277600, s9;
	s8 =	sadd.s32 $0x2600, s9;
	s12 =	sshrl.u32 s11, $0x1;
	v0 =	vmov s10  }
0xc: {  	s9 =	sadd.s32 $0x33BA00, s9;
	_ =	strace $0x80000047;
	s11 =	ssub.s32 s11, s12;
	v0 =	vsub.s32 $0x0, v0  }
0xd: {  	v1 =	vimm.s32 $0x0;
	v2 =	vlaneseq.u32;
	s13 =	simm.s32 $0x2;
	s12 =	simm.s32 $0x9C40;
	s11 =	smax.u32 s11, $0x1;
	v0 =	vbroadcast v0, $0x0  }
.LBB2_1:
0xe: {  	s24 =	simm.s32 $0x40;
	s25 =	simm.s32 $0x0  }
.LBB2_2:
0xf: {  	p0 =	sne.s32 s24, $0x270C0;
	[tilespmem:s25+$0x0] =	vst v1;
	s25 =	smov.u32 s24;
	s24 =	sadd.s32 $0x40, s24  }
.Ltmp0:
0x10: {  	(pc) =	sbr.rel @p0 .LBB2_2-.Ltmp0, $2  }
0x11: {  	_ =	sdelay $0x2  }
0x12: {  	s25 =	sshra.s32 s25, $0x2  }
0x13: {  	[tilespmem:s25+$0x0] =	vst v1;
	s28 =	simm.s32 $0x0;
	s29 =	simm.s32 $0x0;
	s30 =	simm.s32 $0x0  }
.LBB2_4:
0x14: {  	s24 =	smul.u32 $0x3E80, s30;
	_ =	sdelay $0x1  }
0x15: {  	s24 =	sshrl.u32 s24, $0x3  }
0x16: {  	s25 =	sadd.s32 s1, s24  }
0x17: {  	[tilespmem:s12], [sflag:$0x2] =	stream.linear.gather [hbm4b:s25+s28], $0x3E80, $0x38;
	[tilespmem:$0x1B3F0] =	vst v63  }
0x18: {  	_ =	swait.ge [sflag:s13], $0x3E80  }
0x19: {  	[sflag:s13] =	ssyncset.done $0x0  }
0x1a: {  	s24 =	sadd.s32 s2, s24;
	[sflag:s13] =	ssyncadd.s32 $0xFFFFC180  }
0x1b: {  	[tilespmem:s14], [sflag:$0x2] =	stream.linear.gather [hbm4b:s24+s28], $0x3E80, $0x38;
	[tilespmem:$0x1B3F0] =	vst v63  }
0x1c: {  	_ =	swait.ge [sflag:s13], $0x3E80  }
0x1d: {  	s26 =	simm.s32 $0x0;
	[sflag:s13] =	ssyncset.done $0x0  }
0x1e: {  	s25 =	simm.s32 $0xDAE0;
	s24 =	simm.s32 $0x9C60;
	[sflag:s13] =	ssyncadd.s32 $0xFFFFC180  }
.LBB2_5:
0x1f: {  	v3 =	vld [tilespmem:s24+$0xFFFFFFE0]  }
0x20: {  	v4 =	vld [tilespmem:s25+$0xFFFFFFE0];
	_ =	sdelay $0x4  }
0x21: {  	v3 =	vshll.u32 v3, $0x3;
	v4 =	vadd.s32 v0, v4  }
0x22: {  	v3 =	vadd.s32 v3, v4  }
0x23: {  	vm0 =	vlt.u32 v3, $0x9C40  }
0x24: {  	v3 =	vnsel vm0, $0x0, v3;
	_ =	sdelay $0x1  }
0x25: {  	s31 =	sadd.s32 s26, s29  }
0x26: {  	s0 =	sadd.s32 $0x1, s31  }
0x27: {  	v60 =	vadd.s32 s0, v2  }
0x28: {  	[tilespmem:v3+s3+$0x0] =	vst.idx.msk vm0, v60  }
0x29: {  	v3 =	vld [tilespmem:s24+$0xFFFFFFF0]  }
0x2a: {  	v4 =	vld [tilespmem:s25+$0xFFFFFFF0];
	_ =	sdelay $0x4  }
0x2b: {  	v3 =	vshll.u32 v3, $0x3;
	v4 =	vadd.s32 v0, v4  }
0x2c: {  	v3 =	vadd.s32 v3, v4  }
0x2d: {  	vm13 =	vlt.u32 v3, $0x9C40  }
0x2e: {  	v3 =	vnsel vm13, $0x0, v3;
	_ =	sdelay $0x2  }
0x2f: {  	s0 =	sadd.s32 $0x11, s31  }
0x30: {  	v61 =	vadd.s32 s0, v2  }
0x31: {  	[tilespmem:v3+s3+$0x0] =	vst.idx.msk vm13, v61  }
0x32: {  	v3 =	vld [tilespmem:s24+$0x0]  }
0x33: {  	v4 =	vld [tilespmem:s25+$0x0];
	_ =	sdelay $0x4  }
0x34: {  	v3 =	vshll.u32 v3, $0x3;
	v4 =	vadd.s32 v0, v4  }
0x35: {  	v3 =	vadd.s32 v3, v4  }
0x36: {  	vm14 =	vlt.u32 v3, $0x9C40  }
0x37: {  	v3 =	vnsel vm14, $0x0, v3;
	_ =	sdelay $0x2  }
0x38: {  	s0 =	sadd.s32 $0x21, s31  }
0x39: {  	v62 =	vadd.s32 s0, v2  }
0x3a: {  	[tilespmem:v3+s3+$0x0] =	vst.idx.msk vm14, v62  }
0x3b: {  	v3 =	vld [tilespmem:s24+$0x10]  }
0x3c: {  	v4 =	vld [tilespmem:s25+$0x10];
	_ =	sdelay $0x4  }
0x3d: {  	v3 =	vshll.u32 v3, $0x3;
	v4 =	vadd.s32 v0, v4  }
0x3e: {  	v3 =	vadd.s32 v3, v4  }
0x3f: {  	vm15 =	vlt.u32 v3, $0x9C40  }
0x40: {  	p0 =	sne.s32 s26, $0x3E40;
	v3 =	vnsel vm15, $0x0, v3  }
.Ltmp1:
0x41: {  	_ = 	snop;
	(pc) =	sbr.rel @p0 .LBB2_5-.Ltmp1, $4  }
0x42: {  	_ = 	snop  }
0x43: {  	s31 =	sadd.s32 $0x31, s31  }
0x44: {  	v63 =	vadd.s32 s31, v2  }
0x45: {  	s26 =	sadd.s32 $0x40, s26;
	s24 =	sadd.s32 $0x40, s24;
	s25 =	sadd.s32 $0x40, s25;
	[tilespmem:v3+s3+$0x0] =	vst.idx.msk vm15, v63  }
0x46: {  	s30 =	sadd.s32 $0x1, s30  }
0x47: {  	p0 =	sne.s32 s30, $0x28  }
.Ltmp2:
0x48: {  	_ = 	snop;
	(pc) =	sbr.rel @p0 .LBB2_4-.Ltmp2, $3  }
0x49: {  	_ =	sdelay $0x1  }
0x4a: {  	s29 =	sadd.s32 $0x3E80, s29  }
0x4b: {  	s24 =	simm.s32 $0x0;
	s25 =	simm.s32 $0x0;
	s26 =	simm.s32 $0x0  }
.LBB2_7:
0x4c: {  	v3 =	vmov s25;
	_ =	sdelay $0x3  }
0x4d: {  	s0 =	simm.s32 $0x0  }
0x4e: {  	v4 =	vld.idx.msk [tilespmem:v3+s0+$0x0 ss:$0x1], $0xffff;
	_ =	sdelay $0x2  }
0x4f: {  	v5 =	vor.u32 s24, v2  }
0x50: {  	v5 =	vand.u32 $0xFFF, v5  }
0x51: {  	v5 =	vadd.s32 $0x9C400, v5;
	vm0 =	veq.s32 v4, $0x0;
	v4 =	vadd.s32 $0xFFFFFFFF, v4  }
0x52: {  	s28 =	smul.u32 $0x190, s26;
	v4 =	vsel vm0, v5, v4  }
0x53: {  	s29 =	simm.s32 $0x10;
	s31 =	simm.s32 $0x80;
	s30 =	smov.u32 s24;
	[tilespmem:s0+$0x11940] =	vst v4  }
.LBB2_8:
0x54: {  	p0 =	sne.s32 s31, $0x600;
	v4 =	vld.idx.msk [tilespmem:v3+s29+$0x0 ss:$0x1], $0xffff;
	_ =	sdelay $0x2  }
0x55: {  	s30 =	sadd.s32 $0x10, s30  }
.Ltmp3:
0x56: {  	v5 =	vor.u32 s30, v2;
	(pc) =	sbr.rel @p0 .LBB2_8-.Ltmp3, $4  }
0x57: {  	v5 =	vand.u32 $0xFFF, v5  }
0x58: {  	v5 =	vadd.s32 $0x9C400, v5;
	vm0 =	veq.s32 v4, $0x0;
	v4 =	vadd.s32 $0xFFFFFFFF, v4  }
0x59: {  	v4 =	vsel vm0, v5, v4  }
0x5a: {  	[tilespmem:s29+$0x11940] =	vst v4;
	s29 =	sshra.s32 s31, $0x2;
	s31 =	sadd.s32 $0x40, s31  }
0x5b: {  	_ =	sdelay $0x3  }
0x5c: {  	v3 =	vld.idx.msk [tilespmem:v3+s29+$0x0 ss:$0x1], $0xffff;
	_ =	sdelay $0x1  }
0x5d: {  	s0 =	sadd.s32 $0x10, s30  }
0x5e: {  	v4 =	vor.u32 s0, v2  }
0x5f: {  	v4 =	vand.u32 $0xFFF, v4  }
0x60: {  	v4 =	vadd.s32 $0x9C400, v4;
	vm0 =	veq.s32 v3, $0x0;
	v3 =	vadd.s32 $0xFFFFFFFF, v3  }
0x61: {  	v3 =	vsel vm0, v4, v3  }
0x62: {  	[tilespmem:s29+$0x11940] =	vst v3  }
0x63: {  	[tilespmem:s17], [sflag:$0x1] =	stream.indirect.gather [hbm4b:s5+s15], $0x1, s16, s15, $0xb8;
	[tilespmem:$0x1B3F0] =	vst v63  }
0x64: {  	_ =	swait.ge [sflag:s18], $0x190  }
0x65: {  	[sflag:s18] =	ssyncset.done $0x0  }
0x66: {  	[sflag:s18] =	ssyncadd.s32 $0xFFFFFE70  }
0x67: {  	[tilespmem:s19], [sflag:$0x1] =	stream.indirect.gather [hbm4b:s6+s15], $0x1, s17, s15, $0xb8;
	[tilespmem:$0x1B3F0] =	vst v63  }
0x68: {  	_ =	swait.ge [sflag:s18], $0x190  }
0x69: {  	[sflag:s18] =	ssyncset.done $0x0  }
0x6a: {  	[sflag:s18] =	ssyncadd.s32 $0xFFFFFE70  }
0x6b: {  	[tilespmem:s20], [sflag:$0x1] =	stream.indirect.gather [hbm4b:s7+s15], $0x20, s19, s15, $0xb8;
	[tilespmem:$0x1B3F0] =	vst v63  }
0x6c: {  	_ =	swait.ge [sflag:s18], $0x3200  }
0x6d: {  	[sflag:s18] =	ssyncset.done $0x0  }
0x6e: {  	[sflag:s18] =	ssyncadd.s32 $0xFFFFCE00  }
0x6f: {  	[tilespmem:s21], [sflag:$0x1] =	stream.indirect.gather [hbm4b:s8+s15], $0x20, s17, s15, $0xb8;
	[tilespmem:$0x1B3F0] =	vst v63  }
0x70: {  	_ =	swait.ge [sflag:s18], $0x3200  }
0x71: {  	[sflag:s18] =	ssyncset.done $0x0  }
0x72: {  	s29 =	simm.s32 $0x0;
	[sflag:s18] =	ssyncadd.s32 $0xFFFFCE00  }
0x73: {  	v3 =	vld [tilespmem:s29+$0x11E60]  }
0x74: {  	v4 =	vld [tilespmem:s29+$0x15060]  }
0x75: {  	v5 =	vld [tilespmem:s29+$0x11DF0]  }
0x76: {  	v6 =	vld [tilespmem:s29+$0x14FF0]  }
0x77: {  	v7 =	vld [tilespmem:s29+$0x11E00]  }
0x78: {  	v8 =	vld [tilespmem:s29+$0x15000]  }
0x79: {  	v9 =	vld [tilespmem:s29+$0x11E10]  }
0x7a: {  	v10 =	vld [tilespmem:s29+$0x11E20]  }
0x7b: {  	v3 =	vmul.f32 v4, v3;
	v4 =	vld [tilespmem:s29+$0x15010]  }
0x7c: {  	v11 =	vld [tilespmem:s29+$0x15020]  }
0x7d: {  	v12 =	vld [tilespmem:s29+$0x15030];
	v5 =	vmul.f32 v6, v5  }
0x7e: {  	[tilespmem:s29+$0x18260] =	vst v3;
	v3 =	vmul.f32 v8, v7;
	v8 =	vld [tilespmem:s29+$0x11E30]  }
0x7f: {  	v6 =	vld [tilespmem:s29+$0x15040];
	[tilespmem:s29+$0x181F0] =	vst v5  }
0x80: {  	v5 =	vld [tilespmem:s29+$0x11E40];
	[tilespmem:s29+$0x18200] =	vst v3;
	v3 =	vmul.f32 v4, v9  }
0x81: {  	v7 =	vld [tilespmem:s29+$0x15050];
	v9 =	vmul.f32 v11, v10  }
0x82: {  	s30 =	simm.s32 $0x80;
	[tilespmem:s29+$0x18210] =	vst v3;
	v3 =	vld [tilespmem:s29+$0x11E50]  }
0x83: {  	s31 =	simm.s32 $0x400;
	v8 =	vmul.f32 v12, v8;
	v4 =	vld [tilespmem:s30+$0x11E60];
	[tilespmem:s29+$0x18220] =	vst v9  }
.LBB2_10:
0x84: {  	p0 =	sne.s32 s31, $0xC600;
	v9 =	vld [tilespmem:s30+$0x15060]  }
0x85: {  	v10 =	vld [tilespmem:s30+$0x11DF0];
	[tilespmem:s29+$0x18230] =	vst v8;
	v5 =	vmul.f32 v6, v5  }
0x86: {  	v6 =	vld [tilespmem:s30+$0x14FF0]  }
0x87: {  	v8 =	vld [tilespmem:s30+$0x11E00];
	[tilespmem:s29+$0x18240] =	vst v5;
	v3 =	vmul.f32 v7, v3  }
0x88: {  	v5 =	vld [tilespmem:s30+$0x15000]  }
0x89: {  	v7 =	vld [tilespmem:s30+$0x11E10];
	v4 =	vmul.f32 v9, v4;
	[tilespmem:s29+$0x18250] =	vst v3;
	s29 =	smov.u32 s30  }
0x8a: {  	v3 =	vld [tilespmem:s29+$0x15010]  }
0x8b: {  	v6 =	vmul.f32 v6, v10;
	v9 =	vld [tilespmem:s29+$0x11E20];
	[tilespmem:s29+$0x18260] =	vst v4  }
0x8c: {  	v4 =	vld [tilespmem:s29+$0x15020]  }
0x8d: {  	[tilespmem:s29+$0x181F0] =	vst v6;
	v5 =	vmul.f32 v5, v8;
	v8 =	vld [tilespmem:s29+$0x11E30]  }
0x8e: {  	v10 =	vld [tilespmem:s29+$0x15030]  }
.Ltmp4:
0x8f: {  	[tilespmem:s29+$0x18200] =	vst v5;
	v3 =	vmul.f32 v3, v7;
	v5 =	vld [tilespmem:s29+$0x11E40];
	(pc) =	sbr.rel @p0 .LBB2_10-.Ltmp4, $4  }
0x90: {  	v6 =	vld [tilespmem:s29+$0x15040]  }
0x91: {  	[tilespmem:s29+$0x18210] =	vst v3;
	v9 =	vmul.f32 v4, v9;
	v3 =	vld [tilespmem:s29+$0x11E50]  }
0x92: {  	s30 =	sshra.s32 s31, $0x2;
	v7 =	vld [tilespmem:s29+$0x15050]  }
0x93: {  	s31 =	sadd.s32 $0x200, s31;
	v4 =	vld [tilespmem:s30+$0x11E60];
	[tilespmem:s29+$0x18220] =	vst v9;
	v8 =	vmul.f32 v10, v8  }
0x94: {  	v9 =	vld [tilespmem:s30+$0x15060]  }
0x95: {  	v10 =	vld [tilespmem:s30+$0x11DF0];
	[tilespmem:s29+$0x18230] =	vst v8;
	v5 =	vmul.f32 v6, v5  }
0x96: {  	v54 =	vld [tilespmem:s30+$0x14FF0]  }
0x97: {  	v8 =	vld [tilespmem:s30+$0x11E00];
	[tilespmem:s29+$0x18240] =	vst v5;
	v3 =	vmul.f32 v7, v3  }
0x98: {  	v5 =	vld [tilespmem:s30+$0x15000]  }
0x99: {  	v55 =	vld [tilespmem:s30+$0x11E10];
	[tilespmem:s29+$0x18250] =	vst v3  }
0x9a: {  	v56 =	vld [tilespmem:s30+$0x15010]  }
0x9b: {  	v57 =	vld [tilespmem:s30+$0x11E20]  }
0x9c: {  	v58 =	vld [tilespmem:s30+$0x11E30]  }
0x9d: {  	v59 =	vld [tilespmem:s30+$0x15030]  }
0x9e: {  	v3 =	vmul.f32 v9, v4;
	v60 =	vld [tilespmem:s30+$0x11E40]  }
0x9f: {  	v62 =	vld [tilespmem:s30+$0x11E50]  }
0xa0: {  	[tilespmem:s30+$0x18260] =	vst v3;
	v3 =	vld [tilespmem:s30+$0x15020]  }
0xa1: {  	v63 =	vld [tilespmem:s30+$0x15050];
	v6 =	vmul.f32 v54, v10  }
0xa2: {  	v61 =	vld [tilespmem:s30+$0x15040];
	v5 =	vmul.f32 v5, v8  }
0xa3: {  	[tilespmem:s30+$0x181F0] =	vst v6;
	v4 =	vmul.f32 v56, v55  }
0xa4: {  	[tilespmem:s30+$0x18200] =	vst v5;
	v6 =	vmul.f32 v59, v58  }
0xa5: {  	v3 =	vmul.f32 v3, v57;
	[tilespmem:s30+$0x18210] =	vst v4  }
0xa6: {  	[tilespmem:s30+$0x18230] =	vst v6;
	v4 =	vmul.f32 v63, v62  }
0xa7: {  	s0 =	sadd.s32 s10, s28;
	s26 =	sadd.s32 $0x1, s26;
	[tilespmem:s30+$0x18220] =	vst v3;
	v3 =	vmul.f32 v61, v60  }
0xa8: {  	s0 =	sshll.u32 s0, $0x2;
	p0 =	sne.s32 s26, $0x64;
	[tilespmem:s30+$0x18250] =	vst v4  }
.Ltmp5:
0xa9: {  	s0 =	sadd.s32 s9, s0;
	[tilespmem:s30+$0x18240] =	vst v3;
	(pc) =	sbr.rel @p0 .LBB2_7-.Ltmp5, $4  }
0xaa: {  	[hbm4b:s0+s3] =	stream.linear.scatter [tilespmem:s22], [sflag:$0x2], $0x3200, $0x38;
	[tilespmem:$0x1B3F0] =	vst v63  }
0xab: {  	_ =	swait.ge [sflag:s13], $0x3200  }
0xac: {  	[sflag:s13] =	ssyncset.done $0x0  }
0xad: {  	s25 =	sadd.s32 $0x190, s25;
	s24 =	sadd.s32 $0x190, s24;
	[sflag:s13] =	ssyncadd.s32 $0xFFFFCE00  }
0xae: {  	s23 =	sadd.s32 $0x1, s23  }
0xaf: {  	p0 =	sne.s32 s23, s11  }
.Ltmp6:
0xb0: {  	_ = 	snop;
	(pc) =	sbr.rel @p0 .LBB2_1-.Ltmp6, $1  }
0xb1: {  	_ =	sdelay $0x3  }
0xb2: {  	_ =	sfence.sel $0x180000  }
0xb3: {  	[bflag:$0x0] =	sbarrier.arrive $0xFFFF  }
0xb4: {  	_ =	strace $0x90000047  }
0xb5: {  	[bflag:$0x2] =	sbarrier.arrive $0xFFFF  }
0xb6: {  	p0 =	sne.s32 s4, $0x0;
	s0 =	rddreg [dreg:$0x3]  }
0xb7: {  	s0 =	sadd.s32 @!p0 $0x100000, s0  }
0xb8: {  	[sflag:s0] =	ssyncadd.tile.s32 @!p0 $0x1;
	_ =	shalt  }
.Lfunc_end2:
_tile_overlayer_lowered:
.L_overlay_start_2:
0xb9: {  	(tag) =	ssettag $0x2  }
0xba: {  	s0 =	rddreg [dreg:$0x0];
	s2 =	stileid.u32  }
0xbb: {  	s1 =	rddreg [dreg:$0x1];
	p0 =	sne.s32 s2, $0x0  }
0xbc: {  	s3 =	rddreg [dreg:$0x2];
	[bflag:$0x3] =	sbarrier.arrive $0xFFFF;
	s2 =	simm.s32 @!p0 $0x1C02  }
0xbd: {  	[timem:s3], [sflag:s2] =	dma.local @!p0 [hbm:s0], s1  }
0xbe: {  	s0 =	simm.s32 @!p0 $0x2  }
0xbf: {  	_ =	swait.ge @!p0 [sflag:s0], s1  }
0xc0: {  	s1 =	ssub.s32 @!p0 $0x0, s1;
	[sflag:s0] =	ssyncset.done @!p0 $0x0  }
0xc1: {  	[sflag:s0] =	ssyncadd.s32 @!p0 s1  }
0xc2: {  	[bflag:$0x3] =	sbarrier.arrive $0xFFFF  }
0xc3: {  	_ =	shalt  }

</sc_bundles>
